<compile_context>
chip_gen: v7x
topology: tpu7x:2x2x1
jax: 0.10.2.dev20260603
libtpu: 0.0.44.dev20260713+nightly
codegen_flags: <defaults>
</compile_context>

<pallas_src>
import math
import functools

import jax
import jax.numpy as jnp
from jax import lax
from jax.experimental import pallas as pl
from jax.experimental.pallas import tpu as pltpu
from jax.experimental.pallas import tpu_sc as plsc

NUM_EMBEDDINGS = 1000000
EMBED_DIM = 64
TAB_W = 128
SEQ = 200
BATCH = 4096

NC = 2
NS = 16
NW = NC * NS

B_TOTAL = BATCH * SEQ
ROWS_PER_W = B_TOTAL // NW
IDX_W = 128
IDX_ROWS_W = ROWS_PER_W // IDX_W
STEP = 256
N_STEPS = ROWS_PER_W // STEP


def _pe_table():
    position = jnp.arange(0, SEQ, dtype=jnp.float32)[:, None]
    div_term = jnp.exp(
        jnp.arange(0, EMBED_DIM, 2, dtype=jnp.float32)
        * (-(math.log(10000.0) / EMBED_DIM)))
    pe = jnp.zeros((SEQ, EMBED_DIM), dtype=jnp.float32)
    pe = pe.at[:, 0::2].set(jnp.sin(position * div_term))
    pe = pe.at[:, 1::2].set(jnp.cos(position * div_term))
    return pe


def _sc_gather_add(x2d, tablep, pe):
    mesh = plsc.VectorSubcoreMesh(core_axis_name="c", subcore_axis_name="s")

    @functools.partial(
        pl.kernel,
        out_type=jax.ShapeDtypeStruct((B_TOTAL, TAB_W), jnp.float32),
        mesh=mesh,
        scratch_types=[
            pltpu.VMEM((IDX_ROWS_W, IDX_W), jnp.int32),
            pltpu.VMEM((SEQ, EMBED_DIM), jnp.float32),
            pltpu.VMEM((STEP, TAB_W), jnp.float32),
            pltpu.VMEM((STEP, TAB_W), jnp.float32),
            pltpu.SemaphoreType.DMA,
            pltpu.SemaphoreType.DMA,
            pltpu.SemaphoreType.DMA,
            pltpu.SemaphoreType.DMA,
        ],
        compiler_params=pltpu.CompilerParams(
            use_tc_tiling_on_sc=True, needs_layout_passes=False),
    )
    def k(x_hbm, tab_hbm, pe_hbm, out_hbm,
          idx_v, pe_v, bufg0, bufg1, gs0, gs1, os0, os1):
        cid = lax.axis_index("c")
        sid = lax.axis_index("s")
        wid = sid * NC + cid
        bufg = (bufg0, bufg1)
        gsem = (gs0, gs1)
        osem = (os0, os1)

        irow0 = pl.multiple_of(wid * IDX_ROWS_W, 8)
        pltpu.sync_copy(x_hbm.at[pl.ds(irow0, IDX_ROWS_W)], idx_v)
        pltpu.sync_copy(pe_hbm, pe_v)
        row0_w = wid * ROWS_PER_W

        def fire_gather(kk, p):
            for j in (0, 1):
                pltpu.async_copy(
                    tab_hbm.at[idx_v.at[2 * kk + j]],
                    bufg[p].at[pl.ds(j * IDX_W, IDX_W)],
                    gsem[p],
                )

        def wait_gather(kk, p):
            for j in (0, 1):
                pltpu.make_async_copy(
                    tab_hbm.at[idx_v.at[2 * kk + j]],
                    bufg[p].at[pl.ds(j * IDX_W, IDX_W)],
                    gsem[p],
                ).wait()

        def out_dma(kk, p):
            base = row0_w + kk * STEP
            return (bufg[p], out_hbm.at[pl.ds(base, STEP)], osem[p])

        def compute(kk, p):
            base_mod = lax.rem(kk * STEP, SEQ)

            def rbody(r, carry):
                pr = lax.rem(base_mod + r, SEQ)
                for c in range(EMBED_DIM // 16):
                    pv = pe_v[pr, pl.ds(16 * c, 16)]
                    plsc.addupdate(bufg[p].at[r, pl.ds(16 * c, 16)], pv)
                return carry
            lax.fori_loop(0, STEP, rbody, 0, unroll=2)

        def step(kk, p):
            @pl.when(kk >= 2)
            def _():
                src, dst, sem = out_dma(kk - 2, p)
                pltpu.make_async_copy(src, dst, sem).wait()

            fire_gather(kk, p)

            @pl.when(kk >= 1)
            def _():
                wait_gather(kk - 1, 1 - p)
                compute(kk - 1, 1 - p)
                src, dst, sem = out_dma(kk - 1, 1 - p)
                pltpu.async_copy(src, dst, sem)

        def pair_body(u, carry):
            for pp in (0, 1):
                step(2 * u + pp, pp)
            return carry

        lax.fori_loop(0, N_STEPS // 2, pair_body, 0)

        last = N_STEPS - 1
        wait_gather(last, last % 2)
        compute(last, last % 2)
        src, dst, sem = out_dma(last, last % 2)
        pltpu.async_copy(src, dst, sem)
        for kk in (last - 1, last):
            src, dst, sem = out_dma(kk, kk % 2)
            pltpu.make_async_copy(src, dst, sem).wait()

    return k(x2d, tablep, pe)


def kernel(x, emb_weight):
    pe = _pe_table()
    x2d = x.reshape(B_TOTAL // IDX_W, IDX_W).astype(jnp.int32)
    tablep = jnp.pad(emb_weight, ((0, 0), (0, TAB_W - EMBED_DIM)))
    e = _sc_gather_add(x2d, tablep, pe)
    out = e[:, :EMBED_DIM].reshape(BATCH, SEQ, EMBED_DIM)
    pos_emb = jnp.broadcast_to(pe[None, :, :], (BATCH, SEQ, EMBED_DIM))
    return (out, pos_emb)

# --- scband reference (transcript-rebuilt; emitter-appended) ---
"""Pipeline reference for scband-standard-embedding-78786880078379 (READ-ONLY COPY).

The authoritative reference and input builder live on the scoring server;
editing this copy changes nothing except your own understanding.
"""

import math
import jax, jax.numpy as jnp
import numpy as np

NUM_EMBEDDINGS = 1000000
EMBED_DIM = 64
MAX_LENGTH = 200
BATCH = 4096
SEQ = 200
PAD_TOKEN_ID = 0


def make_sinusoidal_pe(num_embeddings, embedding_dim):
    position = jnp.arange(0, num_embeddings, dtype=jnp.float32)[:, None]
    div_term = jnp.exp(jnp.arange(0, embedding_dim, 2, dtype=jnp.float32) * (-(math.log(10000.0) / embedding_dim)))
    pe = jnp.zeros((num_embeddings, embedding_dim), dtype=jnp.float32)
    pe = pe.at[:, 0::2].set(jnp.sin(position * div_term))
    pe = pe.at[:, 1::2].set(jnp.cos(position * div_term))
    return pe


def setup_inputs(seed: int = 0) -> dict:
    key = jax.random.key(seed)
    k1, k2 = jax.random.split(key)
    x = jax.random.randint(k1, (BATCH, SEQ), 0, NUM_EMBEDDINGS, dtype=jnp.int64 if jax.config.read('jax_enable_x64') else jnp.int32)
    emb_weight = jax.random.normal(k2, (NUM_EMBEDDINGS, EMBED_DIM), dtype=jnp.float32) * 0.02
    # padding_idx row zeroed (nn.Embedding zeroes padding_idx row init)
    emb_weight = emb_weight.at[PAD_TOKEN_ID].set(0.0)
    return {"x": x, "emb_weight": emb_weight}


def reference(x, emb_weight):
    # TokenEmbedding: gather + scale (scale_embeddings=False -> scale=1.0)
    emb = jnp.take(emb_weight, x, axis=0) * 1.0
    # Sinusoidal positional embedding buffer (non-learned)
    pe = make_sinusoidal_pe(MAX_LENGTH, EMBED_DIM)
    positions = jnp.broadcast_to(jnp.arange(emb.shape[1]), (emb.shape[0], emb.shape[1]))
    pos_emb = jnp.take(pe, positions.reshape(-1), axis=0).reshape(positions.shape[0], positions.shape[1], -1)
    # mode == 'add'
    out = emb + pos_emb
    # dropout p=0.0 -> identity
    return (out, pos_emb)

if __name__ == "__main__":
    import jax
    _d = setup_inputs()
    print(jax.jit(kernel)(*tuple(_d.values())))

</pallas_src>

<mosaic_0001>
#map = affine_map<(d0, d1) -> (0, 0)>
module attributes {stable_mosaic.version = 14 : i64} {
  func.func @k(%arg0: i32, %arg1: i32, %arg2: memref<6400x128xi32, #tpu.memory_space<hbm>>, %arg3: memref<1000000x128xf32, #tpu.memory_space<hbm>>, %arg4: memref<200x64xf32, #tpu.memory_space<hbm>>, %arg5: memref<819200x128xf32, #tpu.memory_space<hbm>>, %arg6: memref<200x128xi32, #tpu.memory_space<vmem>>, %arg7: memref<200x64xf32, #tpu.memory_space<vmem>>, %arg8: memref<256x128xf32, #tpu.memory_space<vmem>>, %arg9: memref<256x128xf32, #tpu.memory_space<vmem>>, %arg10: memref<!tpu.dma_semaphore, #tpu.memory_space<semaphore_mem>>, %arg11: memref<!tpu.dma_semaphore, #tpu.memory_space<semaphore_mem>>, %arg12: memref<!tpu.dma_semaphore, #tpu.memory_space<semaphore_mem>>, %arg13: memref<!tpu.dma_semaphore, #tpu.memory_space<semaphore_mem>>) attributes {dimension_semantics = [#tpu.dimension_semantics<core_parallel>, #tpu.dimension_semantics<subcore_parallel>], iteration_bounds = array<i64: 2, 16>, scalar_prefetch = 0 : i64, scratch_operands = 8 : i64, tpu.core_type = #tpu.core_type<sc_vector_subcore>, window_params = [{transform_indices = #map}, {transform_indices = #map}, {transform_indices = #map}, {transform_indices = #map}]} {
    %mul3A = arith.constant 2 : i32
    %mul3A_0 = arith.muli %arg1, %mul3A : i32
    %add3A = arith.addi %mul3A_0, %arg0 : i32
    %mul3A_1 = arith.constant 200 : i32
    %mul3A_2 = arith.muli %add3A, %mul3A_1 : i32
    %multiple_of3A = tpu.assume_multiple %mul3A_2, 8 : i32
    "tpu.region"() ({
      %run_scoped3A = tpu.sem_alloc : memref<!tpu.dma_semaphore, #tpu.memory_space<semaphore_mem>>
      %dma_start3A_54 = arith.constant 0 : i32
      %dma_start3A_55 = tpu.memref_slice %arg2[%multiple_of3A, %dma_start3A_54] : memref<6400x128xi32, #tpu.memory_space<hbm>> -> memref<200x128xi32, #tpu.memory_space<hbm>>
      %dma_start3A_56 = arith.constant 0 : i32
      %dma_start3A_57 = tpu.memref_slice %arg2[%multiple_of3A, %dma_start3A_56] : memref<6400x128xi32, #tpu.memory_space<hbm>> -> memref<200x128xi32, #tpu.memory_space<hbm>>
      tpu.enqueue_dma source(%dma_start3A_57 : memref<200x128xi32, #tpu.memory_space<hbm>>) target(%arg6 : memref<200x128xi32, #tpu.memory_space<vmem>>) target_semaphore(%run_scoped3A : memref<!tpu.dma_semaphore, #tpu.memory_space<semaphore_mem>>)
      %dma_wait3A_58 = arith.constant 0 : i32
      %dma_wait3A_59 = tpu.memref_slice %arg2[%multiple_of3A, %dma_wait3A_58] : memref<6400x128xi32, #tpu.memory_space<hbm>> -> memref<200x128xi32, #tpu.memory_space<hbm>>
      %dma_wait3A_60 = arith.constant 0 : i32
      %dma_wait3A_61 = tpu.memref_slice %arg2[%multiple_of3A, %dma_wait3A_60] : memref<6400x128xi32, #tpu.memory_space<hbm>> -> memref<200x128xi32, #tpu.memory_space<hbm>>
      tpu.wait_dma2 semaphore(%run_scoped3A : memref<!tpu.dma_semaphore, #tpu.memory_space<semaphore_mem>>) src(%dma_wait3A_61 : memref<200x128xi32, #tpu.memory_space<hbm>>) dst(%arg6 : memref<200x128xi32, #tpu.memory_space<vmem>>)
      tpu.yield
    }) : () -> ()
    "tpu.region"() ({
      %run_scoped3A = tpu.sem_alloc : memref<!tpu.dma_semaphore, #tpu.memory_space<semaphore_mem>>
      tpu.enqueue_dma source(%arg4 : memref<200x64xf32, #tpu.memory_space<hbm>>) target(%arg7 : memref<200x64xf32, #tpu.memory_space<vmem>>) target_semaphore(%run_scoped3A : memref<!tpu.dma_semaphore, #tpu.memory_space<semaphore_mem>>)
      tpu.wait_dma2 semaphore(%run_scoped3A : memref<!tpu.dma_semaphore, #tpu.memory_space<semaphore_mem>>) src(%arg4 : memref<200x64xf32, #tpu.memory_space<hbm>>) dst(%arg7 : memref<200x64xf32, #tpu.memory_space<vmem>>)
      tpu.yield
    }) : () -> ()
    %mul3A_3 = arith.constant 25600 : i32
    %mul3A_4 = arith.muli %add3A, %mul3A_3 : i32
    %scan3A = arith.constant 0 : i32
    %scan3A_5 = arith.constant 0 : i32
    %scan3A_6 = arith.constant 50 : i32
    %scan3A_7 = arith.addi %scan3A_5, %scan3A_6 : i32
    %scan3A_8 = arith.constant 1 : i32
    scf.for %scan3A_54 = %scan3A_5 to %scan3A_7 step %scan3A_8  : i32 {
      %mul3A_55 = arith.constant 2 : i32
      %mul3A_56 = arith.muli %mul3A_55, %scan3A_54 : i32
      %add3A_57 = arith.constant 0 : i32
      %add3A_58 = arith.addi %mul3A_56, %add3A_57 : i32
      %ge3A = arith.constant 2 : i32
      %ge3A_59 = arith.cmpi sge, %add3A_58, %ge3A : i32
      %convert_element_type3A = arith.extui %ge3A_59 : i1 to i32
      %cond3A = arith.constant 0 : i32
      %cond3A_60 = arith.cmpi ne, %convert_element_type3A, %cond3A : i32
      scf.if %cond3A_60 {
        %sub3A = arith.constant 2 : i32
        %sub3A_132 = arith.subi %add3A_58, %sub3A : i32
        %mul3A_133 = arith.constant 256 : i32
        %mul3A_134 = arith.muli %sub3A_132, %mul3A_133 : i32
        %add3A_135 = arith.addi %mul3A_4, %mul3A_134 : i32
        %dma_wait3A_136 = arith.constant 0 : i32
        %dma_wait3A_137 = tpu.memref_slice %arg5[%add3A_135, %dma_wait3A_136] : memref<819200x128xf32, #tpu.memory_space<hbm>> -> memref<256x128xf32, #tpu.memory_space<hbm>>
        %dma_wait3A_138 = arith.constant 0 : i32
        %dma_wait3A_139 = tpu.memref_slice %arg5[%add3A_135, %dma_wait3A_138] : memref<819200x128xf32, #tpu.memory_space<hbm>> -> memref<256x128xf32, #tpu.memory_space<hbm>>
        tpu.wait_dma2 semaphore(%arg12 : memref<!tpu.dma_semaphore, #tpu.memory_space<semaphore_mem>>) src(%arg8 : memref<256x128xf32, #tpu.memory_space<vmem>>) dst(%dma_wait3A_139 : memref<256x128xf32, #tpu.memory_space<hbm>>)
      } else {
      }
      %mul3A_61 = arith.constant 2 : i32
      %mul3A_62 = arith.muli %mul3A_61, %add3A_58 : i32
      %add3A_63 = arith.constant 0 : i32
      %add3A_64 = arith.addi %mul3A_62, %add3A_63 : i32
      %dma_start3A_65 = arith.constant 0 : i32
      %dma_start3A_66 = arith.constant 0 : i32
      %dma_start3A_67 = tpu.memref_slice %arg8[%dma_start3A_65, %dma_start3A_66] : memref<256x128xf32, #tpu.memory_space<vmem>> -> memref<128x128xf32, #tpu.memory_space<vmem>>
      %dma_start3A_68 = arith.constant 0 : i32
      %dma_start3A_69 = tpu.memref_slice %arg6[%add3A_64, %dma_start3A_68] : memref<200x128xi32, #tpu.memory_space<vmem>> -> memref<1x128xi32, #tpu.memory_space<vmem>>
      %dma_start3A_70 = tpu.memref_squeeze %dma_start3A_69 : memref<1x128xi32, #tpu.memory_space<vmem>> -> memref<128xi32, #tpu.memory_space<vmem>>
      %dma_start3A_71 = arith.constant 0 : i32
      %dma_start3A_72 = arith.constant 0 : i32
      %dma_start3A_73 = tpu.memref_slice %arg3[%dma_start3A_71, %dma_start3A_72] : memref<1000000x128xf32, #tpu.memory_space<hbm>> -> memref<1000000x128xf32, #tpu.memory_space<hbm>>
      tpu.enqueue_indirect_dma source(%dma_start3A_73 : memref<1000000x128xf32, #tpu.memory_space<hbm>>) target(%dma_start3A_67 : memref<128x128xf32, #tpu.memory_space<vmem>>) offsets(%dma_start3A_70 : memref<128xi32, #tpu.memory_space<vmem>>) semaphore(%arg10 : memref<!tpu.dma_semaphore, #tpu.memory_space<semaphore_mem>>)
      %mul3A_74 = arith.constant 2 : i32
      %mul3A_75 = arith.muli %mul3A_74, %add3A_58 : i32
      %add3A_76 = arith.constant 1 : i32
      %add3A_77 = arith.addi %mul3A_75, %add3A_76 : i32
      %dma_start3A_78 = arith.constant 128 : i32
      %dma_start3A_79 = arith.constant 0 : i32
      %dma_start3A_80 = tpu.memref_slice %arg8[%dma_start3A_78, %dma_start3A_79] : memref<256x128xf32, #tpu.memory_space<vmem>> -> memref<128x128xf32, #tpu.memory_space<vmem>>
      %dma_start3A_81 = arith.constant 0 : i32
      %dma_start3A_82 = tpu.memref_slice %arg6[%add3A_77, %dma_start3A_81] : memref<200x128xi32, #tpu.memory_space<vmem>> -> memref<1x128xi32, #tpu.memory_space<vmem>>
      %dma_start3A_83 = tpu.memref_squeeze %dma_start3A_82 : memref<1x128xi32, #tpu.memory_space<vmem>> -> memref<128xi32, #tpu.memory_space<vmem>>
      %dma_start3A_84 = arith.constant 0 : i32
      %dma_start3A_85 = arith.constant 0 : i32
      %dma_start3A_86 = tpu.memref_slice %arg3[%dma_start3A_84, %dma_start3A_85] : memref<1000000x128xf32, #tpu.memory_space<hbm>> -> memref<1000000x128xf32, #tpu.memory_space<hbm>>
      tpu.enqueue_indirect_dma source(%dma_start3A_86 : memref<1000000x128xf32, #tpu.memory_space<hbm>>) target(%dma_start3A_80 : memref<128x128xf32, #tpu.memory_space<vmem>>) offsets(%dma_start3A_83 : memref<128xi32, #tpu.memory_space<vmem>>) semaphore(%arg10 : memref<!tpu.dma_semaphore, #tpu.memory_space<semaphore_mem>>)
      %ge3A_87 = arith.constant 1 : i32
      %ge3A_88 = arith.cmpi sge, %add3A_58, %ge3A_87 : i32
      %convert_element_type3A_89 = arith.extui %ge3A_88 : i1 to i32
      %cond3A_90 = arith.constant 0 : i32
      %cond3A_91 = arith.cmpi ne, %convert_element_type3A_89, %cond3A_90 : i32
      scf.if %cond3A_91 {
        %sub3A = arith.constant 1 : i32
        %sub3A_132 = arith.subi %add3A_58, %sub3A : i32
        %mul3A_133 = arith.constant 2 : i32
        %mul3A_134 = arith.muli %mul3A_133, %sub3A_132 : i32
        %add3A_135 = arith.constant 0 : i32
        %add3A_136 = arith.addi %mul3A_134, %add3A_135 : i32
        %dma_wait3A_137 = arith.constant 0 : i32
        %dma_wait3A_138 = arith.constant 0 : i32
        %dma_wait3A_139 = tpu.memref_slice %arg9[%dma_wait3A_137, %dma_wait3A_138] : memref<256x128xf32, #tpu.memory_space<vmem>> -> memref<128x128xf32, #tpu.memory_space<vmem>>
        %dma_wait3A_140 = arith.constant 0 : i32
        %dma_wait3A_141 = tpu.memref_slice %arg6[%add3A_136, %dma_wait3A_140] : memref<200x128xi32, #tpu.memory_space<vmem>> -> memref<1x128xi32, #tpu.memory_space<vmem>>
        %dma_wait3A_142 = tpu.memref_squeeze %dma_wait3A_141 : memref<1x128xi32, #tpu.memory_space<vmem>> -> memref<128xi32, #tpu.memory_space<vmem>>
        %dma_wait3A_143 = arith.constant 0 : i32
        %dma_wait3A_144 = arith.constant 0 : i32
        %dma_wait3A_145 = tpu.memref_slice %arg3[%dma_wait3A_143, %dma_wait3A_144] : memref<1000000x128xf32, #tpu.memory_space<hbm>> -> memref<1000000x128xf32, #tpu.memory_space<hbm>>
        tpu.wait_indirect_dma semaphore(%arg11 : memref<!tpu.dma_semaphore, #tpu.memory_space<semaphore_mem>>) src(%dma_wait3A_145 : memref<1000000x128xf32, #tpu.memory_space<hbm>>) dst(%dma_wait3A_139 : memref<128x128xf32, #tpu.memory_space<vmem>>)
        %mul3A_146 = arith.constant 2 : i32
        %mul3A_147 = arith.muli %mul3A_146, %sub3A_132 : i32
        %add3A_148 = arith.constant 1 : i32
        %add3A_149 = arith.addi %mul3A_147, %add3A_148 : i32
        %dma_wait3A_150 = arith.constant 128 : i32
        %dma_wait3A_151 = arith.constant 0 : i32
        %dma_wait3A_152 = tpu.memref_slice %arg9[%dma_wait3A_150, %dma_wait3A_151] : memref<256x128xf32, #tpu.memory_space<vmem>> -> memref<128x128xf32, #tpu.memory_space<vmem>>
        %dma_wait3A_153 = arith.constant 0 : i32
        %dma_wait3A_154 = tpu.memref_slice %arg6[%add3A_149, %dma_wait3A_153] : memref<200x128xi32, #tpu.memory_space<vmem>> -> memref<1x128xi32, #tpu.memory_space<vmem>>
        %dma_wait3A_155 = tpu.memref_squeeze %dma_wait3A_154 : memref<1x128xi32, #tpu.memory_space<vmem>> -> memref<128xi32, #tpu.memory_space<vmem>>
        %dma_wait3A_156 = arith.constant 0 : i32
        %dma_wait3A_157 = arith.constant 0 : i32
        %dma_wait3A_158 = tpu.memref_slice %arg3[%dma_wait3A_156, %dma_wait3A_157] : memref<1000000x128xf32, #tpu.memory_space<hbm>> -> memref<1000000x128xf32, #tpu.memory_space<hbm>>
        tpu.wait_indirect_dma semaphore(%arg11 : memref<!tpu.dma_semaphore, #tpu.memory_space<semaphore_mem>>) src(%dma_wait3A_158 : memref<1000000x128xf32, #tpu.memory_space<hbm>>) dst(%dma_wait3A_152 : memref<128x128xf32, #tpu.memory_space<vmem>>)
        %sub3A_159 = arith.constant 1 : i32
        %sub3A_160 = arith.subi %add3A_58, %sub3A_159 : i32
        %mul3A_161 = arith.constant 256 : i32
        %mul3A_162 = arith.muli %sub3A_160, %mul3A_161 : i32
        %rem3A_163 = arith.constant 200 : i32
        %rem3A_164 = arith.remsi %mul3A_162, %rem3A_163 : i32
        %scan3A_165 = arith.constant 0 : i32
        %scan3A_166 = arith.constant 0 : i32
        %scan3A_167 = arith.constant 256 : i32
        %scan3A_168 = arith.addi %scan3A_166, %scan3A_167 : i32
        %scan3A_169 = arith.constant 2 : i32
        scf.for %scan3A_180 = %scan3A_166 to %scan3A_168 step %scan3A_169  : i32 {
          %add3A_181 = arith.addi %rem3A_164, %scan3A_180 : i32
          %rem3A_182 = arith.constant 200 : i32
          %rem3A_183 = arith.remsi %add3A_181, %rem3A_182 : i32
          %get3A = arith.index_cast %rem3A_183 : i32 to index
          %get3A_184 = arith.constant 0 : index
          %get3A_185 = tpu.vector_load %arg7[%get3A, %get3A_184] {strides = array<i32>} : memref<200x64xf32, #tpu.memory_space<vmem>>, vector<16xf32>,
          %swap3A = arith.index_cast %scan3A_180 : i32 to index
          %swap3A_186 = arith.constant 0 : index
          %swap3A_187 = tpu.vector_load %arg9[%swap3A, %swap3A_186] {strides = array<i32>} : memref<256x128xf32, #tpu.memory_space<vmem>>, vector<16xf32>,
          tpu.vector_store %arg9[%swap3A, %swap3A_186], %get3A_185 {add = true, strides = array<i32>} : memref<256x128xf32, #tpu.memory_space<vmem>>, vector<16xf32>,
          %get3A_188 = arith.index_cast %rem3A_183 : i32 to index
          %get3A_189 = arith.constant 16 : index
          %get3A_190 = tpu.vector_load %arg7[%get3A_188, %get3A_189] {strides = array<i32>} : memref<200x64xf32, #tpu.memory_space<vmem>>, vector<16xf32>,
          %swap3A_191 = arith.index_cast %scan3A_180 : i32 to index
          %swap3A_192 = arith.constant 16 : index
          %swap3A_193 = tpu.vector_load %arg9[%swap3A_191, %swap3A_192] {strides = array<i32>} : memref<256x128xf32, #tpu.memory_space<vmem>>, vector<16xf32>,
          tpu.vector_store %arg9[%swap3A_191, %swap3A_192], %get3A_190 {add = true, strides = array<i32>} : memref<256x128xf32, #tpu.memory_space<vmem>>, vector<16xf32>,
          %get3A_194 = arith.index_cast %rem3A_183 : i32 to index
          %get3A_195 = arith.constant 32 : index
          %get3A_196 = tpu.vector_load %arg7[%get3A_194, %get3A_195] {strides = array<i32>} : memref<200x64xf32, #tpu.memory_space<vmem>>, vector<16xf32>,
          %swap3A_197 = arith.index_cast %scan3A_180 : i32 to index
          %swap3A_198 = arith.constant 32 : index
          %swap3A_199 = tpu.vector_load %arg9[%swap3A_197, %swap3A_198] {strides = array<i32>} : memref<256x128xf32, #tpu.memory_space<vmem>>, vector<16xf32>,
          tpu.vector_store %arg9[%swap3A_197, %swap3A_198], %get3A_196 {add = true, strides = array<i32>} : memref<256x128xf32, #tpu.memory_space<vmem>>, vector<16xf32>,
          %get3A_200 = arith.index_cast %rem3A_183 : i32 to index
          %get3A_201 = arith.constant 48 : index
          %get3A_202 = tpu.vector_load %arg7[%get3A_200, %get3A_201] {strides = array<i32>} : memref<200x64xf32, #tpu.memory_space<vmem>>, vector<16xf32>,
          %swap3A_203 = arith.index_cast %scan3A_180 : i32 to index
          %swap3A_204 = arith.constant 48 : index
          %swap3A_205 = tpu.vector_load %arg9[%swap3A_203, %swap3A_204] {strides = array<i32>} : memref<256x128xf32, #tpu.memory_space<vmem>>, vector<16xf32>,
          tpu.vector_store %arg9[%swap3A_203, %swap3A_204], %get3A_202 {add = true, strides = array<i32>} : memref<256x128xf32, #tpu.memory_space<vmem>>, vector<16xf32>,
          %scan3A_206 = arith.constant 1 : i32
          %scan3A_207 = arith.addi %scan3A_180, %scan3A_206 : i32
          %add3A_208 = arith.addi %rem3A_164, %scan3A_207 : i32
          %rem3A_209 = arith.constant 200 : i32
          %rem3A_210 = arith.remsi %add3A_208, %rem3A_209 : i32
          %get3A_211 = arith.index_cast %rem3A_210 : i32 to index
          %get3A_212 = arith.constant 0 : index
          %get3A_213 = tpu.vector_load %arg7[%get3A_211, %get3A_212] {strides = array<i32>} : memref<200x64xf32, #tpu.memory_space<vmem>>, vector<16xf32>,
          %swap3A_214 = arith.index_cast %scan3A_207 : i32 to index
          %swap3A_215 = arith.constant 0 : index
          %swap3A_216 = tpu.vector_load %arg9[%swap3A_214, %swap3A_215] {strides = array<i32>} : memref<256x128xf32, #tpu.memory_space<vmem>>, vector<16xf32>,
          tpu.vector_store %arg9[%swap3A_214, %swap3A_215], %get3A_213 {add = true, strides = array<i32>} : memref<256x128xf32, #tpu.memory_space<vmem>>, vector<16xf32>,
          %get3A_217 = arith.index_cast %rem3A_210 : i32 to index
          %get3A_218 = arith.constant 16 : index
          %get3A_219 = tpu.vector_load %arg7[%get3A_217, %get3A_218] {strides = array<i32>} : memref<200x64xf32, #tpu.memory_space<vmem>>, vector<16xf32>,
          %swap3A_220 = arith.index_cast %scan3A_207 : i32 to index
          %swap3A_221 = arith.constant 16 : index
          %swap3A_222 = tpu.vector_load %arg9[%swap3A_220, %swap3A_221] {strides = array<i32>} : memref<256x128xf32, #tpu.memory_space<vmem>>, vector<16xf32>,
          tpu.vector_store %arg9[%swap3A_220, %swap3A_221], %get3A_219 {add = true, strides = array<i32>} : memref<256x128xf32, #tpu.memory_space<vmem>>, vector<16xf32>,
          %get3A_223 = arith.index_cast %rem3A_210 : i32 to index
          %get3A_224 = arith.constant 32 : index
          %get3A_225 = tpu.vector_load %arg7[%get3A_223, %get3A_224] {strides = array<i32>} : memref<200x64xf32, #tpu.memory_space<vmem>>, vector<16xf32>,
          %swap3A_226 = arith.index_cast %scan3A_207 : i32 to index
          %swap3A_227 = arith.constant 32 : index
          %swap3A_228 = tpu.vector_load %arg9[%swap3A_226, %swap3A_227] {strides = array<i32>} : memref<256x128xf32, #tpu.memory_space<vmem>>, vector<16xf32>,
          tpu.vector_store %arg9[%swap3A_226, %swap3A_227], %get3A_225 {add = true, strides = array<i32>} : memref<256x128xf32, #tpu.memory_space<vmem>>, vector<16xf32>,
          %get3A_229 = arith.index_cast %rem3A_210 : i32 to index
          %get3A_230 = arith.constant 48 : index
          %get3A_231 = tpu.vector_load %arg7[%get3A_229, %get3A_230] {strides = array<i32>} : memref<200x64xf32, #tpu.memory_space<vmem>>, vector<16xf32>,
          %swap3A_232 = arith.index_cast %scan3A_207 : i32 to index
          %swap3A_233 = arith.constant 48 : index
          %swap3A_234 = tpu.vector_load %arg9[%swap3A_232, %swap3A_233] {strides = array<i32>} : memref<256x128xf32, #tpu.memory_space<vmem>>, vector<16xf32>,
          tpu.vector_store %arg9[%swap3A_232, %swap3A_233], %get3A_231 {add = true, strides = array<i32>} : memref<256x128xf32, #tpu.memory_space<vmem>>, vector<16xf32>,
        }
        %scan3A_170 = arith.constant 256 : i32
        %sub3A_171 = arith.constant 1 : i32
        %sub3A_172 = arith.subi %add3A_58, %sub3A_171 : i32
        %mul3A_173 = arith.constant 256 : i32
        %mul3A_174 = arith.muli %sub3A_172, %mul3A_173 : i32
        %add3A_175 = arith.addi %mul3A_4, %mul3A_174 : i32
        %dma_start3A_176 = arith.constant 0 : i32
        %dma_start3A_177 = tpu.memref_slice %arg5[%add3A_175, %dma_start3A_176] : memref<819200x128xf32, #tpu.memory_space<hbm>> -> memref<256x128xf32, #tpu.memory_space<hbm>>
        %dma_start3A_178 = arith.constant 0 : i32
        %dma_start3A_179 = tpu.memref_slice %arg5[%add3A_175, %dma_start3A_178] : memref<819200x128xf32, #tpu.memory_space<hbm>> -> memref<256x128xf32, #tpu.memory_space<hbm>>
        tpu.enqueue_dma source(%arg9 : memref<256x128xf32, #tpu.memory_space<vmem>>) target(%dma_start3A_179 : memref<256x128xf32, #tpu.memory_space<hbm>>) target_semaphore(%arg13 : memref<!tpu.dma_semaphore, #tpu.memory_space<semaphore_mem>>)
      } else {
      }
      %mul3A_92 = arith.constant 2 : i32
      %mul3A_93 = arith.muli %mul3A_92, %scan3A_54 : i32
      %add3A_94 = arith.constant 1 : i32
      %add3A_95 = arith.addi %mul3A_93, %add3A_94 : i32
      %ge3A_96 = arith.constant 2 : i32
      %ge3A_97 = arith.cmpi sge, %add3A_95, %ge3A_96 : i32
      %convert_element_type3A_98 = arith.extui %ge3A_97 : i1 to i32
      %cond3A_99 = arith.constant 0 : i32
      %cond3A_100 = arith.cmpi ne, %convert_element_type3A_98, %cond3A_99 : i32
      scf.if %cond3A_100 {
        %sub3A = arith.constant 2 : i32
        %sub3A_132 = arith.subi %add3A_95, %sub3A : i32
        %mul3A_133 = arith.constant 256 : i32
        %mul3A_134 = arith.muli %sub3A_132, %mul3A_133 : i32
        %add3A_135 = arith.addi %mul3A_4, %mul3A_134 : i32
        %dma_wait3A_136 = arith.constant 0 : i32
        %dma_wait3A_137 = tpu.memref_slice %arg5[%add3A_135, %dma_wait3A_136] : memref<819200x128xf32, #tpu.memory_space<hbm>> -> memref<256x128xf32, #tpu.memory_space<hbm>>
        %dma_wait3A_138 = arith.constant 0 : i32
        %dma_wait3A_139 = tpu.memref_slice %arg5[%add3A_135, %dma_wait3A_138] : memref<819200x128xf32, #tpu.memory_space<hbm>> -> memref<256x128xf32, #tpu.memory_space<hbm>>
        tpu.wait_dma2 semaphore(%arg13 : memref<!tpu.dma_semaphore, #tpu.memory_space<semaphore_mem>>) src(%arg9 : memref<256x128xf32, #tpu.memory_space<vmem>>) dst(%dma_wait3A_139 : memref<256x128xf32, #tpu.memory_space<hbm>>)
      } else {
      }
      %mul3A_101 = arith.constant 2 : i32
      %mul3A_102 = arith.muli %mul3A_101, %add3A_95 : i32
      %add3A_103 = arith.constant 0 : i32
      %add3A_104 = arith.addi %mul3A_102, %add3A_103 : i32
      %dma_start3A_105 = arith.constant 0 : i32
      %dma_start3A_106 = arith.constant 0 : i32
      %dma_start3A_107 = tpu.memref_slice %arg9[%dma_start3A_105, %dma_start3A_106] : memref<256x128xf32, #tpu.memory_space<vmem>> -> memref<128x128xf32, #tpu.memory_space<vmem>>
      %dma_start3A_108 = arith.constant 0 : i32
      %dma_start3A_109 = tpu.memref_slice %arg6[%add3A_104, %dma_start3A_108] : memref<200x128xi32, #tpu.memory_space<vmem>> -> memref<1x128xi32, #tpu.memory_space<vmem>>
      %dma_start3A_110 = tpu.memref_squeeze %dma_start3A_109 : memref<1x128xi32, #tpu.memory_space<vmem>> -> memref<128xi32, #tpu.memory_space<vmem>>
      %dma_start3A_111 = arith.constant 0 : i32
      %dma_start3A_112 = arith.constant 0 : i32
      %dma_start3A_113 = tpu.memref_slice %arg3[%dma_start3A_111, %dma_start3A_112] : memref<1000000x128xf32, #tpu.memory_space<hbm>> -> memref<1000000x128xf32, #tpu.memory_space<hbm>>
      tpu.enqueue_indirect_dma source(%dma_start3A_113 : memref<1000000x128xf32, #tpu.memory_space<hbm>>) target(%dma_start3A_107 : memref<128x128xf32, #tpu.memory_space<vmem>>) offsets(%dma_start3A_110 : memref<128xi32, #tpu.memory_space<vmem>>) semaphore(%arg11 : memref<!tpu.dma_semaphore, #tpu.memory_space<semaphore_mem>>)
      %mul3A_114 = arith.constant 2 : i32
      %mul3A_115 = arith.muli %mul3A_114, %add3A_95 : i32
      %add3A_116 = arith.constant 1 : i32
      %add3A_117 = arith.addi %mul3A_115, %add3A_116 : i32
      %dma_start3A_118 = arith.constant 128 : i32
      %dma_start3A_119 = arith.constant 0 : i32
      %dma_start3A_120 = tpu.memref_slice %arg9[%dma_start3A_118, %dma_start3A_119] : memref<256x128xf32, #tpu.memory_space<vmem>> -> memref<128x128xf32, #tpu.memory_space<vmem>>
      %dma_start3A_121 = arith.constant 0 : i32
      %dma_start3A_122 = tpu.memref_slice %arg6[%add3A_117, %dma_start3A_121] : memref<200x128xi32, #tpu.memory_space<vmem>> -> memref<1x128xi32, #tpu.memory_space<vmem>>
      %dma_start3A_123 = tpu.memref_squeeze %dma_start3A_122 : memref<1x128xi32, #tpu.memory_space<vmem>> -> memref<128xi32, #tpu.memory_space<vmem>>
      %dma_start3A_124 = arith.constant 0 : i32
      %dma_start3A_125 = arith.constant 0 : i32
      %dma_start3A_126 = tpu.memref_slice %arg3[%dma_start3A_124, %dma_start3A_125] : memref<1000000x128xf32, #tpu.memory_space<hbm>> -> memref<1000000x128xf32, #tpu.memory_space<hbm>>
      tpu.enqueue_indirect_dma source(%dma_start3A_126 : memref<1000000x128xf32, #tpu.memory_space<hbm>>) target(%dma_start3A_120 : memref<128x128xf32, #tpu.memory_space<vmem>>) offsets(%dma_start3A_123 : memref<128xi32, #tpu.memory_space<vmem>>) semaphore(%arg11 : memref<!tpu.dma_semaphore, #tpu.memory_space<semaphore_mem>>)
      %ge3A_127 = arith.constant 1 : i32
      %ge3A_128 = arith.cmpi sge, %add3A_95, %ge3A_127 : i32
      %convert_element_type3A_129 = arith.extui %ge3A_128 : i1 to i32
      %cond3A_130 = arith.constant 0 : i32
      %cond3A_131 = arith.cmpi ne, %convert_element_type3A_129, %cond3A_130 : i32
      scf.if %cond3A_131 {
        %sub3A = arith.constant 1 : i32
        %sub3A_132 = arith.subi %add3A_95, %sub3A : i32
        %mul3A_133 = arith.constant 2 : i32
        %mul3A_134 = arith.muli %mul3A_133, %sub3A_132 : i32
        %add3A_135 = arith.constant 0 : i32
        %add3A_136 = arith.addi %mul3A_134, %add3A_135 : i32
        %dma_wait3A_137 = arith.constant 0 : i32
        %dma_wait3A_138 = arith.constant 0 : i32
        %dma_wait3A_139 = tpu.memref_slice %arg8[%dma_wait3A_137, %dma_wait3A_138] : memref<256x128xf32, #tpu.memory_space<vmem>> -> memref<128x128xf32, #tpu.memory_space<vmem>>
        %dma_wait3A_140 = arith.constant 0 : i32
        %dma_wait3A_141 = tpu.memref_slice %arg6[%add3A_136, %dma_wait3A_140] : memref<200x128xi32, #tpu.memory_space<vmem>> -> memref<1x128xi32, #tpu.memory_space<vmem>>
        %dma_wait3A_142 = tpu.memref_squeeze %dma_wait3A_141 : memref<1x128xi32, #tpu.memory_space<vmem>> -> memref<128xi32, #tpu.memory_space<vmem>>
        %dma_wait3A_143 = arith.constant 0 : i32
        %dma_wait3A_144 = arith.constant 0 : i32
        %dma_wait3A_145 = tpu.memref_slice %arg3[%dma_wait3A_143, %dma_wait3A_144] : memref<1000000x128xf32, #tpu.memory_space<hbm>> -> memref<1000000x128xf32, #tpu.memory_space<hbm>>
        tpu.wait_indirect_dma semaphore(%arg10 : memref<!tpu.dma_semaphore, #tpu.memory_space<semaphore_mem>>) src(%dma_wait3A_145 : memref<1000000x128xf32, #tpu.memory_space<hbm>>) dst(%dma_wait3A_139 : memref<128x128xf32, #tpu.memory_space<vmem>>)
        %mul3A_146 = arith.constant 2 : i32
        %mul3A_147 = arith.muli %mul3A_146, %sub3A_132 : i32
        %add3A_148 = arith.constant 1 : i32
        %add3A_149 = arith.addi %mul3A_147, %add3A_148 : i32
        %dma_wait3A_150 = arith.constant 128 : i32
        %dma_wait3A_151 = arith.constant 0 : i32
        %dma_wait3A_152 = tpu.memref_slice %arg8[%dma_wait3A_150, %dma_wait3A_151] : memref<256x128xf32, #tpu.memory_space<vmem>> -> memref<128x128xf32, #tpu.memory_space<vmem>>
        %dma_wait3A_153 = arith.constant 0 : i32
        %dma_wait3A_154 = tpu.memref_slice %arg6[%add3A_149, %dma_wait3A_153] : memref<200x128xi32, #tpu.memory_space<vmem>> -> memref<1x128xi32, #tpu.memory_space<vmem>>
        %dma_wait3A_155 = tpu.memref_squeeze %dma_wait3A_154 : memref<1x128xi32, #tpu.memory_space<vmem>> -> memref<128xi32, #tpu.memory_space<vmem>>
        %dma_wait3A_156 = arith.constant 0 : i32
        %dma_wait3A_157 = arith.constant 0 : i32
        %dma_wait3A_158 = tpu.memref_slice %arg3[%dma_wait3A_156, %dma_wait3A_157] : memref<1000000x128xf32, #tpu.memory_space<hbm>> -> memref<1000000x128xf32, #tpu.memory_space<hbm>>
        tpu.wait_indirect_dma semaphore(%arg10 : memref<!tpu.dma_semaphore, #tpu.memory_space<semaphore_mem>>) src(%dma_wait3A_158 : memref<1000000x128xf32, #tpu.memory_space<hbm>>) dst(%dma_wait3A_152 : memref<128x128xf32, #tpu.memory_space<vmem>>)
        %sub3A_159 = arith.constant 1 : i32
        %sub3A_160 = arith.subi %add3A_95, %sub3A_159 : i32
        %mul3A_161 = arith.constant 256 : i32
        %mul3A_162 = arith.muli %sub3A_160, %mul3A_161 : i32
        %rem3A_163 = arith.constant 200 : i32
        %rem3A_164 = arith.remsi %mul3A_162, %rem3A_163 : i32
        %scan3A_165 = arith.constant 0 : i32
        %scan3A_166 = arith.constant 0 : i32
        %scan3A_167 = arith.constant 256 : i32
        %scan3A_168 = arith.addi %scan3A_166, %scan3A_167 : i32
        %scan3A_169 = arith.constant 2 : i32
        scf.for %scan3A_180 = %scan3A_166 to %scan3A_168 step %scan3A_169  : i32 {
          %add3A_181 = arith.addi %rem3A_164, %scan3A_180 : i32
          %rem3A_182 = arith.constant 200 : i32
          %rem3A_183 = arith.remsi %add3A_181, %rem3A_182 : i32
          %get3A = arith.index_cast %rem3A_183 : i32 to index
          %get3A_184 = arith.constant 0 : index
          %get3A_185 = tpu.vector_load %arg7[%get3A, %get3A_184] {strides = array<i32>} : memref<200x64xf32, #tpu.memory_space<vmem>>, vector<16xf32>,
          %swap3A = arith.index_cast %scan3A_180 : i32 to index
          %swap3A_186 = arith.constant 0 : index
          %swap3A_187 = tpu.vector_load %arg8[%swap3A, %swap3A_186] {strides = array<i32>} : memref<256x128xf32, #tpu.memory_space<vmem>>, vector<16xf32>,
          tpu.vector_store %arg8[%swap3A, %swap3A_186], %get3A_185 {add = true, strides = array<i32>} : memref<256x128xf32, #tpu.memory_space<vmem>>, vector<16xf32>,
          %get3A_188 = arith.index_cast %rem3A_183 : i32 to index
          %get3A_189 = arith.constant 16 : index
          %get3A_190 = tpu.vector_load %arg7[%get3A_188, %get3A_189] {strides = array<i32>} : memref<200x64xf32, #tpu.memory_space<vmem>>, vector<16xf32>,
          %swap3A_191 = arith.index_cast %scan3A_180 : i32 to index
          %swap3A_192 = arith.constant 16 : index
          %swap3A_193 = tpu.vector_load %arg8[%swap3A_191, %swap3A_192] {strides = array<i32>} : memref<256x128xf32, #tpu.memory_space<vmem>>, vector<16xf32>,
          tpu.vector_store %arg8[%swap3A_191, %swap3A_192], %get3A_190 {add = true, strides = array<i32>} : memref<256x128xf32, #tpu.memory_space<vmem>>, vector<16xf32>,
          %get3A_194 = arith.index_cast %rem3A_183 : i32 to index
          %get3A_195 = arith.constant 32 : index
          %get3A_196 = tpu.vector_load %arg7[%get3A_194, %get3A_195] {strides = array<i32>} : memref<200x64xf32, #tpu.memory_space<vmem>>, vector<16xf32>,
          %swap3A_197 = arith.index_cast %scan3A_180 : i32 to index
          %swap3A_198 = arith.constant 32 : index
          %swap3A_199 = tpu.vector_load %arg8[%swap3A_197, %swap3A_198] {strides = array<i32>} : memref<256x128xf32, #tpu.memory_space<vmem>>, vector<16xf32>,
          tpu.vector_store %arg8[%swap3A_197, %swap3A_198], %get3A_196 {add = true, strides = array<i32>} : memref<256x128xf32, #tpu.memory_space<vmem>>, vector<16xf32>,
          %get3A_200 = arith.index_cast %rem3A_183 : i32 to index
          %get3A_201 = arith.constant 48 : index
          %get3A_202 = tpu.vector_load %arg7[%get3A_200, %get3A_201] {strides = array<i32>} : memref<200x64xf32, #tpu.memory_space<vmem>>, vector<16xf32>,
          %swap3A_203 = arith.index_cast %scan3A_180 : i32 to index
          %swap3A_204 = arith.constant 48 : index
          %swap3A_205 = tpu.vector_load %arg8[%swap3A_203, %swap3A_204] {strides = array<i32>} : memref<256x128xf32, #tpu.memory_space<vmem>>, vector<16xf32>,
          tpu.vector_store %arg8[%swap3A_203, %swap3A_204], %get3A_202 {add = true, strides = array<i32>} : memref<256x128xf32, #tpu.memory_space<vmem>>, vector<16xf32>,
          %scan3A_206 = arith.constant 1 : i32
          %scan3A_207 = arith.addi %scan3A_180, %scan3A_206 : i32
          %add3A_208 = arith.addi %rem3A_164, %scan3A_207 : i32
          %rem3A_209 = arith.constant 200 : i32
          %rem3A_210 = arith.remsi %add3A_208, %rem3A_209 : i32
          %get3A_211 = arith.index_cast %rem3A_210 : i32 to index
          %get3A_212 = arith.constant 0 : index
          %get3A_213 = tpu.vector_load %arg7[%get3A_211, %get3A_212] {strides = array<i32>} : memref<200x64xf32, #tpu.memory_space<vmem>>, vector<16xf32>,
          %swap3A_214 = arith.index_cast %scan3A_207 : i32 to index
          %swap3A_215 = arith.constant 0 : index
          %swap3A_216 = tpu.vector_load %arg8[%swap3A_214, %swap3A_215] {strides = array<i32>} : memref<256x128xf32, #tpu.memory_space<vmem>>, vector<16xf32>,
          tpu.vector_store %arg8[%swap3A_214, %swap3A_215], %get3A_213 {add = true, strides = array<i32>} : memref<256x128xf32, #tpu.memory_space<vmem>>, vector<16xf32>,
          %get3A_217 = arith.index_cast %rem3A_210 : i32 to index
          %get3A_218 = arith.constant 16 : index
          %get3A_219 = tpu.vector_load %arg7[%get3A_217, %get3A_218] {strides = array<i32>} : memref<200x64xf32, #tpu.memory_space<vmem>>, vector<16xf32>,
          %swap3A_220 = arith.index_cast %scan3A_207 : i32 to index
          %swap3A_221 = arith.constant 16 : index
          %swap3A_222 = tpu.vector_load %arg8[%swap3A_220, %swap3A_221] {strides = array<i32>} : memref<256x128xf32, #tpu.memory_space<vmem>>, vector<16xf32>,
          tpu.vector_store %arg8[%swap3A_220, %swap3A_221], %get3A_219 {add = true, strides = array<i32>} : memref<256x128xf32, #tpu.memory_space<vmem>>, vector<16xf32>,
          %get3A_223 = arith.index_cast %rem3A_210 : i32 to index
          %get3A_224 = arith.constant 32 : index
          %get3A_225 = tpu.vector_load %arg7[%get3A_223, %get3A_224] {strides = array<i32>} : memref<200x64xf32, #tpu.memory_space<vmem>>, vector<16xf32>,
          %swap3A_226 = arith.index_cast %scan3A_207 : i32 to index
          %swap3A_227 = arith.constant 32 : index
          %swap3A_228 = tpu.vector_load %arg8[%swap3A_226, %swap3A_227] {strides = array<i32>} : memref<256x128xf32, #tpu.memory_space<vmem>>, vector<16xf32>,
          tpu.vector_store %arg8[%swap3A_226, %swap3A_227], %get3A_225 {add = true, strides = array<i32>} : memref<256x128xf32, #tpu.memory_space<vmem>>, vector<16xf32>,
          %get3A_229 = arith.index_cast %rem3A_210 : i32 to index
          %get3A_230 = arith.constant 48 : index
          %get3A_231 = tpu.vector_load %arg7[%get3A_229, %get3A_230] {strides = array<i32>} : memref<200x64xf32, #tpu.memory_space<vmem>>, vector<16xf32>,
          %swap3A_232 = arith.index_cast %scan3A_207 : i32 to index
          %swap3A_233 = arith.constant 48 : index
          %swap3A_234 = tpu.vector_load %arg8[%swap3A_232, %swap3A_233] {strides = array<i32>} : memref<256x128xf32, #tpu.memory_space<vmem>>, vector<16xf32>,
          tpu.vector_store %arg8[%swap3A_232, %swap3A_233], %get3A_231 {add = true, strides = array<i32>} : memref<256x128xf32, #tpu.memory_space<vmem>>, vector<16xf32>,
        }
        %scan3A_170 = arith.constant 256 : i32
        %sub3A_171 = arith.constant 1 : i32
        %sub3A_172 = arith.subi %add3A_95, %sub3A_171 : i32
        %mul3A_173 = arith.constant 256 : i32
        %mul3A_174 = arith.muli %sub3A_172, %mul3A_173 : i32
        %add3A_175 = arith.addi %mul3A_4, %mul3A_174 : i32
        %dma_start3A_176 = arith.constant 0 : i32
        %dma_start3A_177 = tpu.memref_slice %arg5[%add3A_175, %dma_start3A_176] : memref<819200x128xf32, #tpu.memory_space<hbm>> -> memref<256x128xf32, #tpu.memory_space<hbm>>
        %dma_start3A_178 = arith.constant 0 : i32
        %dma_start3A_179 = tpu.memref_slice %arg5[%add3A_175, %dma_start3A_178] : memref<819200x128xf32, #tpu.memory_space<hbm>> -> memref<256x128xf32, #tpu.memory_space<hbm>>
        tpu.enqueue_dma source(%arg8 : memref<256x128xf32, #tpu.memory_space<vmem>>) target(%dma_start3A_179 : memref<256x128xf32, #tpu.memory_space<hbm>>) target_semaphore(%arg12 : memref<!tpu.dma_semaphore, #tpu.memory_space<semaphore_mem>>)
      } else {
      }
    }
    %scan3A_9 = arith.constant 50 : i32
    %dma_wait3A = arith.constant 198 : i32
    %dma_wait3A_10 = arith.constant 0 : i32
    %dma_wait3A_11 = arith.constant 0 : i32
    %dma_wait3A_12 = tpu.memref_slice %arg9[%dma_wait3A_10, %dma_wait3A_11] : memref<256x128xf32, #tpu.memory_space<vmem>> -> memref<128x128xf32, #tpu.memory_space<vmem>>
    %dma_wait3A_13 = arith.constant 0 : i32
    %dma_wait3A_14 = tpu.memref_slice %arg6[%dma_wait3A, %dma_wait3A_13] : memref<200x128xi32, #tpu.memory_space<vmem>> -> memref<1x128xi32, #tpu.memory_space<vmem>>
    %dma_wait3A_15 = tpu.memref_squeeze %dma_wait3A_14 : memref<1x128xi32, #tpu.memory_space<vmem>> -> memref<128xi32, #tpu.memory_space<vmem>>
    %dma_wait3A_16 = arith.constant 0 : i32
    %dma_wait3A_17 = arith.constant 0 : i32
    %dma_wait3A_18 = tpu.memref_slice %arg3[%dma_wait3A_16, %dma_wait3A_17] : memref<1000000x128xf32, #tpu.memory_space<hbm>> -> memref<1000000x128xf32, #tpu.memory_space<hbm>>
    tpu.wait_indirect_dma semaphore(%arg11 : memref<!tpu.dma_semaphore, #tpu.memory_space<semaphore_mem>>) src(%dma_wait3A_18 : memref<1000000x128xf32, #tpu.memory_space<hbm>>) dst(%dma_wait3A_12 : memref<128x128xf32, #tpu.memory_space<vmem>>)
    %dma_wait3A_19 = arith.constant 199 : i32
    %dma_wait3A_20 = arith.constant 128 : i32
    %dma_wait3A_21 = arith.constant 0 : i32
    %dma_wait3A_22 = tpu.memref_slice %arg9[%dma_wait3A_20, %dma_wait3A_21] : memref<256x128xf32, #tpu.memory_space<vmem>> -> memref<128x128xf32, #tpu.memory_space<vmem>>
    %dma_wait3A_23 = arith.constant 0 : i32
    %dma_wait3A_24 = tpu.memref_slice %arg6[%dma_wait3A_19, %dma_wait3A_23] : memref<200x128xi32, #tpu.memory_space<vmem>> -> memref<1x128xi32, #tpu.memory_space<vmem>>
    %dma_wait3A_25 = tpu.memref_squeeze %dma_wait3A_24 : memref<1x128xi32, #tpu.memory_space<vmem>> -> memref<128xi32, #tpu.memory_space<vmem>>
    %dma_wait3A_26 = arith.constant 0 : i32
    %dma_wait3A_27 = arith.constant 0 : i32
    %dma_wait3A_28 = tpu.memref_slice %arg3[%dma_wait3A_26, %dma_wait3A_27] : memref<1000000x128xf32, #tpu.memory_space<hbm>> -> memref<1000000x128xf32, #tpu.memory_space<hbm>>
    tpu.wait_indirect_dma semaphore(%arg11 : memref<!tpu.dma_semaphore, #tpu.memory_space<semaphore_mem>>) src(%dma_wait3A_28 : memref<1000000x128xf32, #tpu.memory_space<hbm>>) dst(%dma_wait3A_22 : memref<128x128xf32, #tpu.memory_space<vmem>>)
    %rem3A = arith.constant 25344 : i32
    %rem3A_29 = arith.constant 200 : i32
    %rem3A_30 = arith.remsi %rem3A, %rem3A_29 : i32
    %scan3A_31 = arith.constant 0 : i32
    %scan3A_32 = arith.constant 0 : i32
    %scan3A_33 = arith.constant 256 : i32
    %scan3A_34 = arith.addi %scan3A_32, %scan3A_33 : i32
    %scan3A_35 = arith.constant 2 : i32
    scf.for %scan3A_54 = %scan3A_32 to %scan3A_34 step %scan3A_35  : i32 {
      %add3A_55 = arith.addi %rem3A_30, %scan3A_54 : i32
      %rem3A_56 = arith.constant 200 : i32
      %rem3A_57 = arith.remsi %add3A_55, %rem3A_56 : i32
      %get3A = arith.index_cast %rem3A_57 : i32 to index
      %get3A_58 = arith.constant 0 : index
      %get3A_59 = tpu.vector_load %arg7[%get3A, %get3A_58] {strides = array<i32>} : memref<200x64xf32, #tpu.memory_space<vmem>>, vector<16xf32>,
      %swap3A = arith.index_cast %scan3A_54 : i32 to index
      %swap3A_60 = arith.constant 0 : index
      %swap3A_61 = tpu.vector_load %arg9[%swap3A, %swap3A_60] {strides = array<i32>} : memref<256x128xf32, #tpu.memory_space<vmem>>, vector<16xf32>,
      tpu.vector_store %arg9[%swap3A, %swap3A_60], %get3A_59 {add = true, strides = array<i32>} : memref<256x128xf32, #tpu.memory_space<vmem>>, vector<16xf32>,
      %get3A_62 = arith.index_cast %rem3A_57 : i32 to index
      %get3A_63 = arith.constant 16 : index
      %get3A_64 = tpu.vector_load %arg7[%get3A_62, %get3A_63] {strides = array<i32>} : memref<200x64xf32, #tpu.memory_space<vmem>>, vector<16xf32>,
      %swap3A_65 = arith.index_cast %scan3A_54 : i32 to index
      %swap3A_66 = arith.constant 16 : index
      %swap3A_67 = tpu.vector_load %arg9[%swap3A_65, %swap3A_66] {strides = array<i32>} : memref<256x128xf32, #tpu.memory_space<vmem>>, vector<16xf32>,
      tpu.vector_store %arg9[%swap3A_65, %swap3A_66], %get3A_64 {add = true, strides = array<i32>} : memref<256x128xf32, #tpu.memory_space<vmem>>, vector<16xf32>,
      %get3A_68 = arith.index_cast %rem3A_57 : i32 to index
      %get3A_69 = arith.constant 32 : index
      %get3A_70 = tpu.vector_load %arg7[%get3A_68, %get3A_69] {strides = array<i32>} : memref<200x64xf32, #tpu.memory_space<vmem>>, vector<16xf32>,
      %swap3A_71 = arith.index_cast %scan3A_54 : i32 to index
      %swap3A_72 = arith.constant 32 : index
      %swap3A_73 = tpu.vector_load %arg9[%swap3A_71, %swap3A_72] {strides = array<i32>} : memref<256x128xf32, #tpu.memory_space<vmem>>, vector<16xf32>,
      tpu.vector_store %arg9[%swap3A_71, %swap3A_72], %get3A_70 {add = true, strides = array<i32>} : memref<256x128xf32, #tpu.memory_space<vmem>>, vector<16xf32>,
      %get3A_74 = arith.index_cast %rem3A_57 : i32 to index
      %get3A_75 = arith.constant 48 : index
      %get3A_76 = tpu.vector_load %arg7[%get3A_74, %get3A_75] {strides = array<i32>} : memref<200x64xf32, #tpu.memory_space<vmem>>, vector<16xf32>,
      %swap3A_77 = arith.index_cast %scan3A_54 : i32 to index
      %swap3A_78 = arith.constant 48 : index
      %swap3A_79 = tpu.vector_load %arg9[%swap3A_77, %swap3A_78] {strides = array<i32>} : memref<256x128xf32, #tpu.memory_space<vmem>>, vector<16xf32>,
      tpu.vector_store %arg9[%swap3A_77, %swap3A_78], %get3A_76 {add = true, strides = array<i32>} : memref<256x128xf32, #tpu.memory_space<vmem>>, vector<16xf32>,
      %scan3A_80 = arith.constant 1 : i32
      %scan3A_81 = arith.addi %scan3A_54, %scan3A_80 : i32
      %add3A_82 = arith.addi %rem3A_30, %scan3A_81 : i32
      %rem3A_83 = arith.constant 200 : i32
      %rem3A_84 = arith.remsi %add3A_82, %rem3A_83 : i32
      %get3A_85 = arith.index_cast %rem3A_84 : i32 to index
      %get3A_86 = arith.constant 0 : index
      %get3A_87 = tpu.vector_load %arg7[%get3A_85, %get3A_86] {strides = array<i32>} : memref<200x64xf32, #tpu.memory_space<vmem>>, vector<16xf32>,
      %swap3A_88 = arith.index_cast %scan3A_81 : i32 to index
      %swap3A_89 = arith.constant 0 : index
      %swap3A_90 = tpu.vector_load %arg9[%swap3A_88, %swap3A_89] {strides = array<i32>} : memref<256x128xf32, #tpu.memory_space<vmem>>, vector<16xf32>,
      tpu.vector_store %arg9[%swap3A_88, %swap3A_89], %get3A_87 {add = true, strides = array<i32>} : memref<256x128xf32, #tpu.memory_space<vmem>>, vector<16xf32>,
      %get3A_91 = arith.index_cast %rem3A_84 : i32 to index
      %get3A_92 = arith.constant 16 : index
      %get3A_93 = tpu.vector_load %arg7[%get3A_91, %get3A_92] {strides = array<i32>} : memref<200x64xf32, #tpu.memory_space<vmem>>, vector<16xf32>,
      %swap3A_94 = arith.index_cast %scan3A_81 : i32 to index
      %swap3A_95 = arith.constant 16 : index
      %swap3A_96 = tpu.vector_load %arg9[%swap3A_94, %swap3A_95] {strides = array<i32>} : memref<256x128xf32, #tpu.memory_space<vmem>>, vector<16xf32>,
      tpu.vector_store %arg9[%swap3A_94, %swap3A_95], %get3A_93 {add = true, strides = array<i32>} : memref<256x128xf32, #tpu.memory_space<vmem>>, vector<16xf32>,
      %get3A_97 = arith.index_cast %rem3A_84 : i32 to index
      %get3A_98 = arith.constant 32 : index
      %get3A_99 = tpu.vector_load %arg7[%get3A_97, %get3A_98] {strides = array<i32>} : memref<200x64xf32, #tpu.memory_space<vmem>>, vector<16xf32>,
      %swap3A_100 = arith.index_cast %scan3A_81 : i32 to index
      %swap3A_101 = arith.constant 32 : index
      %swap3A_102 = tpu.vector_load %arg9[%swap3A_100, %swap3A_101] {strides = array<i32>} : memref<256x128xf32, #tpu.memory_space<vmem>>, vector<16xf32>,
      tpu.vector_store %arg9[%swap3A_100, %swap3A_101], %get3A_99 {add = true, strides = array<i32>} : memref<256x128xf32, #tpu.memory_space<vmem>>, vector<16xf32>,
      %get3A_103 = arith.index_cast %rem3A_84 : i32 to index
      %get3A_104 = arith.constant 48 : index
      %get3A_105 = tpu.vector_load %arg7[%get3A_103, %get3A_104] {strides = array<i32>} : memref<200x64xf32, #tpu.memory_space<vmem>>, vector<16xf32>,
      %swap3A_106 = arith.index_cast %scan3A_81 : i32 to index
      %swap3A_107 = arith.constant 48 : index
      %swap3A_108 = tpu.vector_load %arg9[%swap3A_106, %swap3A_107] {strides = array<i32>} : memref<256x128xf32, #tpu.memory_space<vmem>>, vector<16xf32>,
      tpu.vector_store %arg9[%swap3A_106, %swap3A_107], %get3A_105 {add = true, strides = array<i32>} : memref<256x128xf32, #tpu.memory_space<vmem>>, vector<16xf32>,
    }
    %scan3A_36 = arith.constant 256 : i32
    %add3A_37 = arith.constant 25344 : i32
    %add3A_38 = arith.addi %mul3A_4, %add3A_37 : i32
    %dma_start3A = arith.constant 0 : i32
    %dma_start3A_39 = tpu.memref_slice %arg5[%add3A_38, %dma_start3A] : memref<819200x128xf32, #tpu.memory_space<hbm>> -> memref<256x128xf32, #tpu.memory_space<hbm>>
    %dma_start3A_40 = arith.constant 0 : i32
    %dma_start3A_41 = tpu.memref_slice %arg5[%add3A_38, %dma_start3A_40] : memref<819200x128xf32, #tpu.memory_space<hbm>> -> memref<256x128xf32, #tpu.memory_space<hbm>>
    tpu.enqueue_dma source(%arg9 : memref<256x128xf32, #tpu.memory_space<vmem>>) target(%dma_start3A_41 : memref<256x128xf32, #tpu.memory_space<hbm>>) target_semaphore(%arg13 : memref<!tpu.dma_semaphore, #tpu.memory_space<semaphore_mem>>)
    %add3A_42 = arith.constant 25088 : i32
    %add3A_43 = arith.addi %mul3A_4, %add3A_42 : i32
    %dma_wait3A_44 = arith.constant 0 : i32
    %dma_wait3A_45 = tpu.memref_slice %arg5[%add3A_43, %dma_wait3A_44] : memref<819200x128xf32, #tpu.memory_space<hbm>> -> memref<256x128xf32, #tpu.memory_space<hbm>>
    %dma_wait3A_46 = arith.constant 0 : i32
    %dma_wait3A_47 = tpu.memref_slice %arg5[%add3A_43, %dma_wait3A_46] : memref<819200x128xf32, #tpu.memory_space<hbm>> -> memref<256x128xf32, #tpu.memory_space<hbm>>
    tpu.wait_dma2 semaphore(%arg12 : memref<!tpu.dma_semaphore, #tpu.memory_space<semaphore_mem>>) src(%arg8 : memref<256x128xf32, #tpu.memory_space<vmem>>) dst(%dma_wait3A_47 : memref<256x128xf32, #tpu.memory_space<hbm>>)
    %add3A_48 = arith.constant 25344 : i32
    %add3A_49 = arith.addi %mul3A_4, %add3A_48 : i32
    %dma_wait3A_50 = arith.constant 0 : i32
    %dma_wait3A_51 = tpu.memref_slice %arg5[%add3A_49, %dma_wait3A_50] : memref<819200x128xf32, #tpu.memory_space<hbm>> -> memref<256x128xf32, #tpu.memory_space<hbm>>
    %dma_wait3A_52 = arith.constant 0 : i32
    %dma_wait3A_53 = tpu.memref_slice %arg5[%add3A_49, %dma_wait3A_52] : memref<819200x128xf32, #tpu.memory_space<hbm>> -> memref<256x128xf32, #tpu.memory_space<hbm>>
    tpu.wait_dma2 semaphore(%arg13 : memref<!tpu.dma_semaphore, #tpu.memory_space<semaphore_mem>>) src(%arg9 : memref<256x128xf32, #tpu.memory_space<vmem>>) dst(%dma_wait3A_53 : memref<256x128xf32, #tpu.memory_space<hbm>>)
    return
  }
}

</mosaic_0001>

<sc_bundles>
// kernel: kernel.3.cloned.1.call-start
scs
__scs_entry_jumppad:
0x0: {  	(pc) =	sbr.rel $0x88, $3  }
0x1: {  	(tag) =	ssettag $0x0;
	lr =	simm.s32 $0x1  }
0x2: {  	[smem:$0x3F9F] =	sst lr;
	_ =	strace $0xD0000000  }
0x3: {  	_ = 	snop  }
0x4: {  	_ = 	snop  }
0x5: {  	_ = 	snop  }
0x6: {  	_ = 	snop  }
0x7: {  	_ = 	snop  }
__scs_overlays_trampoline_lowered:
0x8: {  	[smem:$0x3FAE] =	sst s0  }
0x9: {  	[smem:$0x3FAF] =	sst s1  }
0xa: {  	[smem:$0x3FB0] =	sst s2  }
0xb: {  	[smem:$0x3FB1] =	sst s3  }
0xc: {  	[smem:$0x3FB2] =	sst s4  }
0xd: {  	[smem:$0x3FB3] =	sst s5  }
0xe: {  	[smem:$0x3FB4] =	sst s6  }
0xf: {  	[smem:$0x3FB5] =	sst s7  }
0x10: {  	[smem:$0x3FB6] =	sst s8  }
0x11: {  	[smem:$0x3FB7] =	sst s9;
	s0 =	simm.s32 @!p0 $0x0  }
0x12: {  	s1 =	sld [smem:$0x3F9D];
	s0 =	simm.s32 @p0 $0x1  }
0x13: {  	[smem:$0x3FB8] =	sst s0;
	s0 =	simm.s32 @!p1 $0x0  }
0x14: {  	s2 =	sld [smem:$0x3F9C];
	s0 =	simm.s32 @p1 $0x1  }
0x15: {  	[smem:$0x3FB9] =	sst s0;
	s0 =	simm.s32 @!p2 $0x0  }
0x16: {  	s3 =	sld [smem:$0x3FDB];
	s0 =	simm.s32 @p2 $0x1  }
0x17: {  	s4 =	simm.s32 $0x1BF5;
	[smem:$0x3FBB] =	sst s0  }
0x18: {  	s0 =	sld [smem:$0x3F9E];
	_ =	swait.ge [sflag:s4], $0x0  }
0x19: {  	s7 =	sld [smem:$0x3F9F]  }
0x1a: {  	s8 =	sadd.s32 $0xFFFFE003, lr  }
0x1b: {  	s9 =	sadd.s32 $0xFFFFFEF7, lr;
	s5 =	simm.s32 $0xFFFFFFFF;
	p2 =	slt.u32 s8, $0xFFFFF086  }
0x1c: {  	p1 =	slt.u32 s9, $0xF7A;
	s5 =	simm.s32 @!p2 $0x0  }
0x1d: {  	s5 =	simm.s32 @p1 $0x1;
	p0 =	seq.s32 s7, s2  }
0x1e: {  	s7 =	smul.u32 @!p0 $0xF7A, s2;
	p2 =	seq.s32 @!p0 s5, $0x0  }
0x1f: {  	s9 =	smul.u32 $0xF7A, s1;
	s8 =	simm.s32 @!p0 $0x1BF5;
	p2 =	por !p2, p0  }
0x20: {  	[sflag:s8] =	ssyncset.s32 @!p0 $0xFFFFF086;
	s6 =	sadd.s32 @!p0 s3, s7;
	s7 =	simm.s32 @!p0 $0x108  }
0x21: {  	s3 =	sadd.s32 s3, s9;
	s6 =	sadd.s32 @!p0 $0x88, s6;
	s7 =	simm.s32 @p2 $0x1082  }
0x22: {  	[simem:s7], [sflag:s8] =	dma.local @!p0 [hbm:s6], $0xF7A  }
0x23: {  	s9 =	sor.u32 $0xD0000000, s2;
	s6 =	simm.s32 $0x108;
	_ =	swait.ge @!p0 [sflag:s8], $0x0  }
0x24: {  	s3 =	sadd.s32 $0x88, s3;
	s6 =	simm.s32 @!p1 $0x1082;
	[sflag:s4] =	ssyncset.s32 $0xFFFFF086  }
0x25: {  	[simem:s6], [sflag:s4] =	dma.local [hbm:s3], $0xF7A  }
0x26: {  	[smem:$0x3F9F] =	sst s1;
	(tag) =	ssettag s2;
	_ =	strace s9  }
0x27: {  	s1 =	sld [smem:$0x3FAF]  }
0x28: {  	s2 =	sld [smem:$0x3FB0]  }
0x29: {  	s4 =	sld [smem:$0x3FB2]  }
0x2a: {  	p0 =	seq.s32 s5, $0x0;
	s5 =	sld [smem:$0x3FB3]  }
0x2b: {  	s6 =	sld [smem:$0x3FB4]  }
0x2c: {  	s7 =	sld [smem:$0x3FB5]  }
0x2d: {  	s3 =	simm.s32 $0x108;
	s8 =	sld [smem:$0x3FB6]  }
0x2e: {  	s3 =	simm.s32 @!p0 $0x1082;
	s9 =	sld [smem:$0x3FB7]  }
0x2f: {  	lr =	sadd.s32 s0, s3;
	s0 =	sld [smem:$0x3FAE]  }
0x30: {  	s3 =	sld [smem:$0x3FB1]  }
0x31: {  	[smem:$0x3FBA] =	sst s10  }
0x32: {  	s10 =	sld [smem:$0x3FB8];
	_ =	sdelay $0x3  }
0x33: {  	p0 =	seq.s32 s10, $0x1;
	s10 =	sld [smem:$0x3FBA];
	_ =	sdelay $0x3  }
0x34: {  	[smem:$0x3FBA] =	sst s10  }
0x35: {  	s10 =	sld [smem:$0x3FB9];
	_ =	sdelay $0x3  }
0x36: {  	p1 =	seq.s32 s10, $0x1;
	s10 =	sld [smem:$0x3FBA];
	_ =	sdelay $0x3  }
0x37: {  	[smem:$0x3FBA] =	sst s10  }
0x38: {  	s10 =	sld [smem:$0x3FBB]  }
0x39: {  	_ = 	snop;
	(pc) =	sbr.ind lr, $3  }
0x3a: {  	_ = 	snop  }
0x3b: {  	_ = 	snop  }
0x3c: {  	p2 =	seq.s32 s10, $0x1;
	s10 =	sld [smem:$0x3FBA]  }
0x3d: {  	_ =	shalt  }
0x3e: {  	_ =	shalt  }
0x3f: {  	_ =	shalt  }
0x40: {  	_ =	shalt  }
0x41: {  	_ =	shalt  }
0x42: {  	_ =	shalt  }
0x43: {  	_ =	shalt  }
0x44: {  	_ =	shalt  }
0x45: {  	_ =	shalt  }
0x46: {  	_ =	shalt  }
0x47: {  	_ =	shalt  }
0x48: {  	_ =	shalt  }
0x49: {  	_ =	shalt  }
0x4a: {  	_ =	shalt  }
0x4b: {  	_ =	shalt  }
0x4c: {  	_ =	shalt  }
0x4d: {  	_ =	shalt  }
0x4e: {  	_ =	shalt  }
0x4f: {  	_ =	shalt  }
0x50: {  	_ =	shalt  }
0x51: {  	_ =	shalt  }
0x52: {  	_ =	shalt  }
0x53: {  	_ =	shalt  }
0x54: {  	_ =	shalt  }
0x55: {  	_ =	shalt  }
0x56: {  	_ =	shalt  }
0x57: {  	_ =	shalt  }
0x58: {  	_ =	shalt  }
0x59: {  	_ =	shalt  }
0x5a: {  	_ =	shalt  }
0x5b: {  	_ =	shalt  }
0x5c: {  	_ =	shalt  }
0x5d: {  	_ =	shalt  }
0x5e: {  	_ =	shalt  }
0x5f: {  	_ =	shalt  }
0x60: {  	_ =	shalt  }
0x61: {  	_ =	shalt  }
0x62: {  	_ =	shalt  }
0x63: {  	_ =	shalt  }
0x64: {  	_ =	shalt  }
0x65: {  	_ =	shalt  }
0x66: {  	_ =	shalt  }
0x67: {  	_ =	shalt  }
0x68: {  	_ =	shalt  }
0x69: {  	_ =	shalt  }
0x6a: {  	_ =	shalt  }
0x6b: {  	_ =	shalt  }
0x6c: {  	_ =	shalt  }
0x6d: {  	_ =	shalt  }
0x6e: {  	_ =	shalt  }
0x6f: {  	_ =	shalt  }
0x70: {  	_ =	shalt  }
0x71: {  	_ =	shalt  }
0x72: {  	_ =	shalt  }
0x73: {  	_ =	shalt  }
0x74: {  	_ =	shalt  }
0x75: {  	_ =	shalt  }
0x76: {  	_ =	shalt  }
0x77: {  	_ =	shalt  }
0x78: {  	_ =	shalt  }
0x79: {  	_ =	shalt  }
0x7a: {  	_ =	shalt  }
0x7b: {  	_ =	shalt  }
0x7c: {  	_ =	shalt  }
0x7d: {  	_ =	shalt  }
0x7e: {  	_ =	shalt  }
0x7f: {  	_ =	shalt  }
0x80: {  	_ =	shalt  }
0x81: {  	_ =	shalt  }
0x82: {  	_ =	shalt  }
0x83: {  	_ =	shalt  }
0x84: {  	_ =	shalt  }
0x85: {  	_ =	shalt  }
0x86: {  	_ =	shalt  }
0x87: {  	_ =	shalt  }
.Lfunc_end0:
.L_simem_size_0:
called_computation.1_lowered:
.L_overlay_start_0:
0x88: {  	s2 =	sld [smem:$0x3FD9]  }
0x89: {  	s3 =	sld [smem:$0x3FFE];
	_ =	sdelay $0x1  }
0x8a: {  	s1 =	srdreg.scid  }
0x8b: {  	s0 =	sand.u32 $0x1, s1  }
0x8c: {  	s14 =	sshll.u32 s0, $0xA;
	s2 =	sadd.s32 s3, s2  }
0x8d: {  	s2 =	sadd.s32 s2, s14  }
0x8e: {  	[smem:$0x3FC6] =	sst s2  }
0x8f: {  	_ = 	snop  }
0x90: {  	s2 =	sld [smem:$0x3FD0];
	_ =	sdelay $0x2  }
0x91: {  	s15 =	simm.s32 $0xA;
	s4 =	simm.s32 $0x10  }
0x92: {  	[smem:s4], [sflag:s15] =	dma.local [hbm:s2], $0x1  }
0x93: {  	_ =	swait.eq [sflag:s15], $0x1  }
0x94: {  	[sflag:s15] =	ssyncset.done $0x0  }
0x95: {  	s16 =	sld [smem:$0x10];
	[sflag:s15] =	ssyncadd.s32 $0xFFFFFFFF  }
0x96: {  	s17 =	sld [smem:$0x11];
	(tm) =	ssettm $0x1  }
0x97: {  	s18 =	sld [smem:$0x3FFB];
	_ =	sdelay $0x3  }
0x98: {  	_ =	strace s18  }
0x99: {  	s4 =	sld [smem:$0x3FFC];
	_ =	sdelay $0x3  }
0x9a: {  	_ =	strace s4  }
0x9b: {  	s4 =	sld [smem:$0x3FFD];
	_ =	sdelay $0x3  }
0x9c: {  	_ =	strace s4  }
0x9d: {  	_ =	strace $0x8FFFFFFF  }
0x9e: {  	s19 =	sld [smem:$0x3FDB];
	_ =	sdelay $0x1  }
0x9f: {  	s5 =	simm.s32 $_scs_section_size  }
0xa0: {  	s6 =	simm.s32 $_size__tile_overlayer_lowered;
	s7 =	simm.s32 $_tile_overlayer_lowered  }
0xa1: {  	s22 =	simm.s32 $0x1BFF;
	s21 =	sshll.u32 s7, $0x1;
	s4 =	sadd.s32 s5, s19  }
0xa2: {  	s8 =	simm.s32 $0x0;
	s20 =	sshll.u32 s6, $0x1;
	s6 =	sadd.s32 s21, s4  }
0xa3: {  	[timem:s8], [sflag:s22] =	dma.local [hbm:s6], s20  }
0xa4: {  	_ =	swait.ge [sflag:s22], s20  }
0xa5: {  	s5 =	ssub.s32 $0x0, s20;
	[sflag:s22] =	ssyncset.done $0x0  }
0xa6: {  	[sflag:s22] =	ssyncadd.s32 s5;
	_ =	sdelay $0x1  }
0xa7: {  	s23 =	simm.s32 $0x1B8B  }
0xa8: {  	_ =	swait.ge [sflag:s23], $0x1  }
0xa9: {  	[sflag:s23] =	ssyncset.done $0x0  }
0xaa: {  	s25 =	simm.s32 $0x1B8E;
	s24 =	sld [smem:$0x3FFE];
	[sflag:s23] =	ssyncadd.s32 $0xFFFFFFFF  }
0xab: {  	s26 =	simm.s32 $execute0_lowered;
	[smem:$0x3FD2] =	sst s25  }
0xac: {  	s6 =	sshll.u32 s26, $0x1;
	_ =	strace $0x80000046;
	[dreg:$0x1] =	wrdreg $0xFFFFFFFF  }
0xad: {  	s28 =	simm.s32 $_size_execute0_lowered;
	s4 =	sadd.s32 s4, s6;
	[dreg:$0x0] =	wrdreg $0x0  }
0xae: {  	s6 =	sshll.u32 s28, $0x1;
	[dreg:$0x2] =	wrdreg s4  }
0xaf: {  	[dreg:$0x3] =	wrdreg s6  }
0xb0: {  	[dreg:$0x4] =	wrdreg $0xC0  }
0xb1: {  	_ =	task [dreg:s8], $0x5FFFF  }
0xb2: {  	[dreg:$0x1] =	wrdreg $0xFFFFFFFF  }
0xb3: {  	[dreg:$0x0] =	wrdreg $0x60  }
0xb4: {  	[dreg:$0x2] =	wrdreg s16  }
0xb5: {  	[dreg:$0x3] =	wrdreg s24  }
0xb6: {  	[dreg:$0x4] =	wrdreg s17  }
0xb7: {  	[dreg:$0x5] =	wrdreg $0x9  }
0xb8: {  	_ =	task.clear_ibuf [dreg:s8], $0x6FFFF;
	_ =	strace $0x90000046  }
0xb9: {  	s29 =	simm.s32 $0x9;
	_ =	strace $0x80000048  }
0xba: {  	_ =	swait.ge [sflag:s29], $0x1  }
0xbb: {  	[sflag:s29] =	ssyncadd.s32 $0xFFFFFFFF  }
0xbc: {  	_ =	strace $0x90000048  }
0xbd: {  	_ =	sfence  }
0xbe: {  	s30 =	sld [smem:$0x0];
	_ =	sdelay $0x2  }
0xbf: {  	s31 =	sshll.u32 s1, $0xD;
	s1 =	sshrl.u32 s1, $0x2  }
0xc0: {  	s3 =	sand.u32 $0x4000, s31;
	s1 =	sadd.s32 s1, s30  }
0xc1: {  	s0 =	sor.u32 s3, s0;
	s1 =	sshll.u32 s1, $0x11  }
0xc2: {  	s0 =	sor.u32 s1, s0  }
0xc3: {  	s0 =	sadd.s32 $0x8F2B, s0  }
0xc4: {  	[sflag:s0] =	ssyncadd.remote.s32 $0x1  }
0xc5: {  	_ =	sfence.sel $0xFFFF  }
0xc6: {  	[dreg:$0x0] =	wrdreg $0xFFFFFFFF;
	(pc) =	sbr.abs _section_cstart, $3  }
0xc7: {  	[dreg:$0x1] =	wrdreg $0xFFFFFFFF  }
0xc8: {  	_ =	task.clear_ibuf [dreg:s8], $0x2FFFF;
	_ =	strace $0x9FFFFFFF  }
0xc9: {  	(tm) =	ssettm $0x7FFFFFFF  }
tec
execute0_lowered:
.L_overlay_start_1:
0x0: {  	(tag) =	ssettag $0x1  }
0x1: {  	s6 =	rddreg [dreg:$0x0]  }
0x2: {  	s5 =	rddreg [dreg:$0x1]  }
0x3: {  	s2 =	rddreg [dreg:$0x2]  }
0x4: {  	s4 =	srdreg.scid;
	s1 =	stileid.u32;
	s3 =	simm.s32 $0x0  }
0x5: {  	s12 =	simm.s32 $0x80;
	s13 =	simm.s32 $0xC800;
	s14 =	simm.s32 $0x10800  }
0x6: {  	s15 =	simm.s32 $0x14800;
	s16 =	simm.s32 $0x18800;
	s17 =	simm.s32 $0x1  }
0x7: {  	s18 =	simm.s32 $0x2;
	s19 =	simm.s32 $0x3;
	s20 =	simm.s32 $0x4  }
0x8: {  	s21 =	simm.s32 $0x0;
	s7 =	sand.u32 $0x1, s4;
	s31 =	sshll.u32 s1, $0x1  }
0x9: {  	[smem:$0x7FF] =	sst s3;
	s4 =	sadd.s32 $0xF42A00, s5;
	s8 =	sor.u32 s7, s31  }
0xa: {  	s5 =	sadd.s32 $0x600, s5;
	s7 =	ssub.s32 $0x2, s7;
	s9 =	smul.u32 $0x320000, s8  }
0xb: {  	_ =	strace $0x80000047;
	s10 =	smul.u32 $0xC80, s8;
	s11 =	sshrl.u32 s7, $0x1  }
0xc: {  	s11 =	ssub.s32 s7, s11;
	s7 =	smul.u32 $0x6400, s8;
	s9 =	sshrl.u32 s9, $0x3  }
0xd: {  	s6 =	sadd.s32 s6, s10;
	s10 =	simm.s32 $0x5;
	s9 =	sadd.s32 s5, s9  }
0xe: {  	s8 =	sadd.s32 $0x63000, s9;
	s9 =	smax.u32 s11, $0x1;
	s11 =	simm.s32 $0x6400  }
.LBB2_1:
0xf: {  	[tilespmem:s3], [sflag:$0x5] =	stream.linear.gather [hbm4b:s6+s3], $0x6400, $0x38;
	[tilespmem:$0x1C800] =	vst v63  }
0x10: {  	_ =	swait.ge [sflag:s10], $0x6400  }
0x11: {  	[sflag:s10] =	ssyncset.done $0x0  }
0x12: {  	[sflag:s10] =	ssyncadd.s32 $0xFFFF9C00  }
0x13: {  	[tilespmem:s11], [sflag:$0x5] =	stream.linear.gather [hbm4b:s2+s3], $0x6400, $0x38;
	[tilespmem:$0x1C800] =	vst v63  }
0x14: {  	_ =	swait.ge [sflag:s10], $0x6400  }
0x15: {  	[sflag:s10] =	ssyncset.done $0x0  }
0x16: {  	s22 =	simm.s32 $0x0;
	[sflag:s10] =	ssyncadd.s32 $0xFFFF9C00  }
.LBB2_2:
0x17: {  	p0 =	sne.s32 s22, $0x0  }
.Ltmp0:
0x18: {  	_ = 	snop;
	(pc) =	sbr.rel @!p0 .LBB2_3-.Ltmp0, $1  }
0x19: {  	_ =	sdelay $0x3  }
0x1a: {  	s23 =	sshll.u32 s22, $0x9  }
0x1b: {  	s25 =	sadd.s32 $0xFFFFFF00, s23  }
0x1c: {  	s24 =	sand.u32 $0xFF00, s25  }
0x1d: {  	s24 =	sshrl.u32 s24, $0x3  }
0x1e: {  	s26 =	smul.u32 $0x147B, s24  }
0x1f: {  	_ =	swait.ge [sflag:s19], $0x8000  }
0x20: {  	[sflag:s19] =	ssyncset.done $0x0;
	s24 =	sshll.u32 s22, $0xB;
	s26 =	sshrl.u32 s26, $0x11  }
0x21: {  	[sflag:s19] =	ssyncadd.s32 $0xFFFF8000;
	s28 =	sshrl.u32 s24, $0x2;
	s26 =	smul.u32 $0xC8, s26  }
0x22: {  	[tilespmem:s13], [sflag:$0x1] =	stream.indirect.gather [hbm4b:s4+s12], $0x80, s28, s12, $0xb8;
	[tilespmem:$0x1C800] =	vst v63  }
0x23: {  	s26 =	ssub.s32 s25, s26  }
0x24: {  	s29 =	sadd.s32 $0x0, s26  }
0x25: {  	s30 =	sand.u32 $0xFFF8, s29  }
0x26: {  	s30 =	sshrl.u32 s30, $0x3  }
0x27: {  	s28 =	sadd.s32 $0x80, s28;
	s30 =	smul.u32 $0x147B, s30  }
0x28: {  	[tilespmem:s14], [sflag:$0x1] =	stream.indirect.gather [hbm4b:s4+s12], $0x80, s28, s12, $0xb8;
	[tilespmem:$0x1C800] =	vst v63  }
0x29: {  	_ =	swait.ge [sflag:s18], $0x4000;
	s28 =	sshrl.u32 s30, $0x11  }
0x2a: {  	[sflag:s18] =	ssyncset.done $0x0;
	s28 =	smul.u32 $0xC8, s28  }
0x2b: {  	[sflag:s18] =	ssyncadd.s32 $0xFFFFC000  }
0x2c: {  	_ =	swait.ge [sflag:s18], $0x4000;
	s28 =	ssub.s32 s29, s28  }
0x2d: {  	[sflag:s18] =	ssyncset.done $0x0;
	s28 =	sand.u32 $0xFFFF, s28  }
0x2e: {  	[sflag:s18] =	ssyncadd.s32 $0xFFFFC000;
	s30 =	sshll.u32 s28, $0x7  }
0x2f: {  	v0 =	vld [tilespmem:s30+$0x6400];
	_ =	sdelay $0x3  }
0x30: {  	s28 =	simm.s32 $0x14880  }
0x31: {  	[tilespmem:s28+$0xFFFFFF80] =	vst.add.f32.msk $0xffff, v0  }
0x32: {  	v0 =	vld [tilespmem:s30+$0x6410];
	_ =	sdelay $0x4  }
0x33: {  	[tilespmem:s28+$0xFFFFFF90] =	vst.add.f32.msk $0xffff, v0  }
0x34: {  	v0 =	vld [tilespmem:s30+$0x6420]  }
0x35: {  	s29 =	sadd.s32 $0x1, s29  }
0x36: {  	s31 =	sand.u32 $0xFFF8, s29  }
0x37: {  	s31 =	sshrl.u32 s31, $0x3  }
0x38: {  	s31 =	smul.u32 $0x147B, s31  }
0x39: {  	[tilespmem:s28+$0xFFFFFFA0] =	vst.add.f32.msk $0xffff, v0  }
0x3a: {  	v0 =	vld [tilespmem:s30+$0x6430];
	s30 =	sshrl.u32 s31, $0x11  }
0x3b: {  	s30 =	smul.u32 $0xC8, s30;
	_ =	sdelay $0x1  }
0x3c: {  	s29 =	ssub.s32 s29, s30  }
0x3d: {  	s29 =	sand.u32 $0xFFFF, s29  }
0x3e: {  	[tilespmem:s28+$0xFFFFFFB0] =	vst.add.f32.msk $0xffff, v0;
	s30 =	sshll.u32 s29, $0x7  }
0x3f: {  	v0 =	vld [tilespmem:s30+$0x6400];
	_ =	sdelay $0x4  }
0x40: {  	[tilespmem:s28+$0x0] =	vst.add.f32.msk $0xffff, v0  }
0x41: {  	v0 =	vld [tilespmem:s30+$0x6410];
	_ =	sdelay $0x4  }
0x42: {  	[tilespmem:s28+$0x10] =	vst.add.f32.msk $0xffff, v0  }
0x43: {  	s29 =	simm.s32 $0x2;
	v0 =	vld [tilespmem:s30+$0x6420]  }
.LBB2_5:
0x44: {  	s31 =	sadd.s32 s29, s26;
	p0 =	slt.u32 s29, $0xFE  }
0x45: {  	s0 =	sand.u32 $0xFFF8, s31  }
0x46: {  	s0 =	sshrl.u32 s0, $0x3  }
0x47: {  	s0 =	smul.u32 $0x147B, s0  }
0x48: {  	[tilespmem:s28+$0x20] =	vst.add.f32.msk $0xffff, v0  }
0x49: {  	s0 =	sshrl.u32 s0, $0x11;
	v0 =	vld [tilespmem:s30+$0x6430]  }
0x4a: {  	s0 =	smul.u32 $0xC8, s0;
	_ =	sdelay $0x1  }
0x4b: {  	s0 =	ssub.s32 s31, s0  }
0x4c: {  	s0 =	sand.u32 $0xFFFF, s0  }
0x4d: {  	s0 =	sshll.u32 s0, $0x7;
	[tilespmem:s28+$0x30] =	vst.add.f32.msk $0xffff, v0  }
0x4e: {  	v0 =	vld [tilespmem:s0+$0x6400];
	_ =	sdelay $0x3  }
0x4f: {  	s28 =	sadd.s32 $0x100, s28  }
0x50: {  	[tilespmem:s28+$0xFFFFFF80] =	vst.add.f32.msk $0xffff, v0  }
0x51: {  	v0 =	vld [tilespmem:s0+$0x6410];
	_ =	sdelay $0x4  }
0x52: {  	[tilespmem:s28+$0xFFFFFF90] =	vst.add.f32.msk $0xffff, v0  }
0x53: {  	v0 =	vld [tilespmem:s0+$0x6420]  }
0x54: {  	s30 =	sadd.s32 $0x1, s31  }
0x55: {  	s31 =	sand.u32 $0xFFF8, s30  }
0x56: {  	s31 =	sshrl.u32 s31, $0x3  }
0x57: {  	s31 =	smul.u32 $0x147B, s31  }
0x58: {  	[tilespmem:s28+$0xFFFFFFA0] =	vst.add.f32.msk $0xffff, v0  }
0x59: {  	v0 =	vld [tilespmem:s0+$0x6430];
	s0 =	sshrl.u32 s31, $0x11  }
0x5a: {  	s0 =	smul.u32 $0xC8, s0;
	_ =	sdelay $0x1  }
0x5b: {  	s0 =	ssub.s32 s30, s0  }
0x5c: {  	s0 =	sand.u32 $0xFFFF, s0  }
0x5d: {  	[tilespmem:s28+$0xFFFFFFB0] =	vst.add.f32.msk $0xffff, v0;
	s30 =	sshll.u32 s0, $0x7  }
0x5e: {  	v0 =	vld [tilespmem:s30+$0x6400];
	_ =	sdelay $0x4  }
0x5f: {  	[tilespmem:s28+$0x0] =	vst.add.f32.msk $0xffff, v0  }
0x60: {  	v0 =	vld [tilespmem:s30+$0x6410];
	_ =	sdelay $0x1  }
.Ltmp1:
0x61: {  	(pc) =	sbr.rel @p0 .LBB2_5-.Ltmp1, $3  }
0x62: {  	_ =	sdelay $0x1  }
0x63: {  	[tilespmem:s28+$0x10] =	vst.add.f32.msk $0xffff, v0  }
0x64: {  	s29 =	sadd.s32 $0x2, s29;
	v0 =	vld [tilespmem:s30+$0x6420]  }
0x65: {  	_ =	sdelay $0x3  }
0x66: {  	[tilespmem:s28+$0x20] =	vst.add.f32.msk $0xffff, v0  }
0x67: {  	v0 =	vld [tilespmem:s30+$0x6430];
	_ =	sdelay $0x2  }
0x68: {  	s0 =	sadd.s32 s7, s25  }
0x69: {  	s0 =	sshll.u32 s0, $0x4  }
.Ltmp2:
0x6a: {  	s0 =	sadd.s32 s5, s0;
	[tilespmem:s28+$0x30] =	vst.add.f32.msk $0xffff, v0;
	(pc) =	sbr.rel .LBB2_7-.Ltmp2, $4  }
0x6b: {  	[hbm4b:s0+s3] =	stream.linear.scatter [tilespmem:s15], [sflag:$0x4], $0x8000, $0x38;
	[tilespmem:$0x1C800] =	vst v63  }
0x6c: {  	_ =	swait.ge [sflag:s20], $0x8000  }
0x6d: {  	[sflag:s20] =	ssyncset.done $0x0  }
0x6e: {  	s24 =	sor.u32 $0x400, s24;
	[sflag:s20] =	ssyncadd.s32 $0xFFFF8000  }
.LBB2_3:
0x6f: {  	s23 =	simm.s32 $0x0  }
0x70: {  	[tilespmem:s13], [sflag:$0x1] =	stream.indirect.gather [hbm4b:s4+s12], $0x80, s23, s12, $0xb8;
	[tilespmem:$0x1C800] =	vst v63  }
0x71: {  	s24 =	simm.s32 $0x400  }
0x72: {  	[tilespmem:s14], [sflag:$0x1] =	stream.indirect.gather [hbm4b:s4+s12], $0x80, s12, s12, $0xb8;
	[tilespmem:$0x1C800] =	vst v63  }
.LBB2_7:
0x73: {  	s0 =	smulhi.u32 $0x51EB851F, s23;
	_ =	sdelay $0x1  }
0x74: {  	s0 =	sshrl.u32 s0, $0x6  }
0x75: {  	s25 =	sshrl.u32 s24, $0x2;
	s0 =	smul.u32 $0xC8, s0  }
0x76: {  	[tilespmem:s15], [sflag:$0x2] =	stream.indirect.gather [hbm4b:s4+s12], $0x80, s25, s12, $0xb8;
	[tilespmem:$0x1C800] =	vst v63  }
0x77: {  	s24 =	ssub.s32 s23, s0  }
0x78: {  	s0 =	sadd.s32 $0xFFFFFFFE, s24  }
0x79: {  	s26 =	sadd.s32 $0x2, s0  }
0x7a: {  	s28 =	sand.u32 $0xFFF8, s26  }
0x7b: {  	s28 =	sshrl.u32 s28, $0x3  }
0x7c: {  	s25 =	sadd.s32 $0x80, s25;
	s28 =	smul.u32 $0x147B, s28  }
0x7d: {  	[tilespmem:s16], [sflag:$0x2] =	stream.indirect.gather [hbm4b:s4+s12], $0x80, s25, s12, $0xb8;
	[tilespmem:$0x1C800] =	vst v63  }
0x7e: {  	_ =	swait.ge [sflag:s17], $0x4000;
	s29 =	sshrl.u32 s28, $0x11  }
0x7f: {  	[sflag:s17] =	ssyncset.done $0x0;
	s25 =	smul.u32 $0xC8, s29  }
0x80: {  	[sflag:s17] =	ssyncadd.s32 $0xFFFFC000  }
0x81: {  	_ =	swait.ge [sflag:s17], $0x4000;
	s25 =	ssub.s32 s26, s25  }
0x82: {  	[sflag:s17] =	ssyncset.done $0x0;
	s25 =	sand.u32 $0xFFFF, s25  }
0x83: {  	[sflag:s17] =	ssyncadd.s32 $0xFFFFC000;
	s30 =	sshll.u32 s25, $0x7  }
0x84: {  	v0 =	vld [tilespmem:s30+$0x6400];
	_ =	sdelay $0x3  }
0x85: {  	s25 =	simm.s32 $0xC880  }
0x86: {  	[tilespmem:s25+$0xFFFFFF80] =	vst.add.f32.msk $0xffff, v0  }
0x87: {  	v0 =	vld [tilespmem:s30+$0x6410];
	_ =	sdelay $0x4  }
0x88: {  	[tilespmem:s25+$0xFFFFFF90] =	vst.add.f32.msk $0xffff, v0  }
0x89: {  	v0 =	vld [tilespmem:s30+$0x6420]  }
0x8a: {  	s0 =	sadd.s32 $0x3, s0  }
0x8b: {  	s28 =	sand.u32 $0xFFF8, s0  }
0x8c: {  	s28 =	sshrl.u32 s28, $0x3  }
0x8d: {  	s28 =	smul.u32 $0x147B, s28  }
0x8e: {  	[tilespmem:s25+$0xFFFFFFA0] =	vst.add.f32.msk $0xffff, v0  }
0x8f: {  	s31 =	sshrl.u32 s28, $0x11;
	v0 =	vld [tilespmem:s30+$0x6430]  }
0x90: {  	s26 =	smul.u32 $0xC8, s31;
	_ =	sdelay $0x1  }
0x91: {  	s0 =	ssub.s32 s0, s26  }
0x92: {  	s0 =	sand.u32 $0xFFFF, s0  }
0x93: {  	s28 =	sshll.u32 s0, $0x7;
	[tilespmem:s25+$0xFFFFFFB0] =	vst.add.f32.msk $0xffff, v0  }
0x94: {  	v0 =	vld [tilespmem:s28+$0x6400];
	_ =	sdelay $0x4  }
0x95: {  	[tilespmem:s25+$0x0] =	vst.add.f32.msk $0xffff, v0  }
0x96: {  	v0 =	vld [tilespmem:s28+$0x6410];
	_ =	sdelay $0x4  }
0x97: {  	s26 =	simm.s32 $0x0;
	[tilespmem:s25+$0x10] =	vst.add.f32.msk $0xffff, v0  }
.LBB2_8:
0x98: {  	s0 =	sadd.s32 s26, s24;
	s26 =	sadd.s32 $0x2, s26;
	v0 =	vld [tilespmem:s28+$0x6420]  }
0x99: {  	s29 =	sadd.s32 $0x2, s0;
	p0 =	slt.u32 s26, $0xFE  }
0x9a: {  	s30 =	sand.u32 $0xFFF8, s29  }
0x9b: {  	s30 =	sshrl.u32 s30, $0x3  }
0x9c: {  	s30 =	smul.u32 $0x147B, s30  }
0x9d: {  	[tilespmem:s25+$0x20] =	vst.add.f32.msk $0xffff, v0  }
0x9e: {  	s30 =	sshrl.u32 s30, $0x11;
	v0 =	vld [tilespmem:s28+$0x6430]  }
0x9f: {  	s28 =	smul.u32 $0xC8, s30;
	_ =	sdelay $0x1  }
0xa0: {  	s28 =	ssub.s32 s29, s28  }
0xa1: {  	s28 =	sand.u32 $0xFFFF, s28  }
0xa2: {  	s28 =	sshll.u32 s28, $0x7;
	[tilespmem:s25+$0x30] =	vst.add.f32.msk $0xffff, v0  }
0xa3: {  	v0 =	vld [tilespmem:s28+$0x6400];
	_ =	sdelay $0x3  }
0xa4: {  	s25 =	sadd.s32 $0x100, s25  }
0xa5: {  	[tilespmem:s25+$0xFFFFFF80] =	vst.add.f32.msk $0xffff, v0  }
0xa6: {  	v0 =	vld [tilespmem:s28+$0x6410];
	_ =	sdelay $0x4  }
0xa7: {  	[tilespmem:s25+$0xFFFFFF90] =	vst.add.f32.msk $0xffff, v0  }
0xa8: {  	v0 =	vld [tilespmem:s28+$0x6420]  }
0xa9: {  	s0 =	sadd.s32 $0x3, s0  }
0xaa: {  	s29 =	sand.u32 $0xFFF8, s0  }
0xab: {  	s29 =	sshrl.u32 s29, $0x3  }
0xac: {  	s29 =	smul.u32 $0x147B, s29  }
0xad: {  	[tilespmem:s25+$0xFFFFFFA0] =	vst.add.f32.msk $0xffff, v0  }
0xae: {  	v0 =	vld [tilespmem:s28+$0x6430];
	s28 =	sshrl.u32 s29, $0x11  }
0xaf: {  	s28 =	smul.u32 $0xC8, s28;
	_ =	sdelay $0x1  }
0xb0: {  	s0 =	ssub.s32 s0, s28  }
0xb1: {  	s0 =	sand.u32 $0xFFFF, s0  }
0xb2: {  	[tilespmem:s25+$0xFFFFFFB0] =	vst.add.f32.msk $0xffff, v0;
	s28 =	sshll.u32 s0, $0x7  }
0xb3: {  	v0 =	vld [tilespmem:s28+$0x6400];
	_ =	sdelay $0x4  }
0xb4: {  	[tilespmem:s25+$0x0] =	vst.add.f32.msk $0xffff, v0  }
0xb5: {  	v0 =	vld [tilespmem:s28+$0x6410]  }
.Ltmp3:
0xb6: {  	(pc) =	sbr.rel @p0 .LBB2_8-.Ltmp3, $2  }
0xb7: {  	_ =	sdelay $0x2  }
0xb8: {  	[tilespmem:s25+$0x10] =	vst.add.f32.msk $0xffff, v0  }
0xb9: {  	v0 =	vld [tilespmem:s28+$0x6420];
	_ =	sdelay $0x4  }
0xba: {  	[tilespmem:s25+$0x20] =	vst.add.f32.msk $0xffff, v0  }
0xbb: {  	s22 =	sadd.s32 $0x1, s22;
	v0 =	vld [tilespmem:s28+$0x6430]  }
0xbc: {  	p0 =	sne.s32 s22, $0x32  }
.Ltmp4:
0xbd: {  	_ = 	snop;
	(pc) =	sbr.rel @p0 .LBB2_2-.Ltmp4, $4  }
0xbe: {  	s0 =	sadd.s32 s7, s23  }
0xbf: {  	s0 =	sshll.u32 s0, $0x4  }
0xc0: {  	s0 =	sadd.s32 s5, s0;
	[tilespmem:s25+$0x30] =	vst.add.f32.msk $0xffff, v0  }
0xc1: {  	[hbm4b:s0+s3] =	stream.linear.scatter [tilespmem:s13], [sflag:$0x3], $0x8000, $0x38;
	[tilespmem:$0x1C800] =	vst v63  }
0xc2: {  	_ =	swait.ge [sflag:s18], $0x4000  }
0xc3: {  	p0 =	por $0x1, $0x1;
	s0 =	simm.s32 $0x90;
	[sflag:s18] =	ssyncset.done $0x0  }
0xc4: {  	s0 =	simm.s32 @!p0 $0x7FFFC8;
	[sflag:s18] =	ssyncadd.s32 $0xFFFFC000  }
0xc5: {  	s0 =	sadd.s32 $0x0, s0;
	_ =	swait.ge [sflag:s18], $0x4000  }
0xc6: {  	s0 =	sshll.u32 s0, $0x9;
	[sflag:s18] =	ssyncset.done $0x0  }
0xc7: {  	s0 =	sshra.s32 s0, $0x2;
	[sflag:s18] =	ssyncadd.s32 $0xFFFFC000  }
0xc8: {  	v0 =	vld [tilespmem:s0+$0x6400];
	_ =	sdelay $0x3  }
0xc9: {  	s22 =	simm.s32 $0x14800  }
0xca: {  	[tilespmem:s22+$0x0] =	vst.add.f32.msk $0xffff, v0  }
0xcb: {  	v0 =	vld [tilespmem:s0+$0x6410];
	_ =	sdelay $0x4  }
0xcc: {  	[tilespmem:s22+$0x10] =	vst.add.f32.msk $0xffff, v0  }
0xcd: {  	v0 =	vld [tilespmem:s0+$0x6420]  }
0xce: {  	s23 =	simm.s32 $0x91  }
0xcf: {  	s23 =	sand.u32 $0xFFF8, s23  }
0xd0: {  	s23 =	sshrl.u32 s23, $0x3  }
0xd1: {  	s23 =	smul.u32 $0x147B, s23  }
0xd2: {  	[tilespmem:s22+$0x20] =	vst.add.f32.msk $0xffff, v0  }
0xd3: {  	s31 =	sshrl.u32 s23, $0x11;
	v0 =	vld [tilespmem:s0+$0x6430]  }
0xd4: {  	s0 =	smul.u32 $0xC8, s31;
	_ =	sdelay $0x1  }
0xd5: {  	s0 =	ssub.s32 $0x91, s0  }
0xd6: {  	s0 =	sshll.u32 s0, $0x7  }
0xd7: {  	s0 =	sand.u32 $0xFF80, s0;
	[tilespmem:s22+$0x30] =	vst.add.f32.msk $0xffff, v0  }
0xd8: {  	v0 =	vld [tilespmem:s0+$0x6400];
	_ =	sdelay $0x4  }
0xd9: {  	[tilespmem:s22+$0x80] =	vst.add.f32.msk $0xffff, v0  }
0xda: {  	v0 =	vld [tilespmem:s0+$0x6410];
	_ =	sdelay $0x4  }
0xdb: {  	[tilespmem:s22+$0x90] =	vst.add.f32.msk $0xffff, v0  }
0xdc: {  	v0 =	vld [tilespmem:s0+$0x6420];
	_ =	sdelay $0x4  }
0xdd: {  	[tilespmem:s22+$0xA0] =	vst.add.f32.msk $0xffff, v0  }
0xde: {  	s23 =	simm.s32 $0x2;
	v0 =	vld [tilespmem:s0+$0x6430]  }
.LBB2_11:
0xdf: {  	p1 =	slt.u32 s23, $0x38;
	p0 =	slt.u32 s23, $0xFE;
	s0 =	simm.s32 $0x90  }
0xe0: {  	s0 =	simm.s32 @!p1 $0x7FFFC8  }
0xe1: {  	s0 =	sadd.s32 s23, s0  }
0xe2: {  	s0 =	sshll.u32 s0, $0x9  }
0xe3: {  	s0 =	sshra.s32 s0, $0x2;
	[tilespmem:s22+$0xB0] =	vst.add.f32.msk $0xffff, v0  }
0xe4: {  	v0 =	vld [tilespmem:s0+$0x6400];
	_ =	sdelay $0x3  }
0xe5: {  	s22 =	sadd.s32 $0x100, s22  }
0xe6: {  	[tilespmem:s22+$0x0] =	vst.add.f32.msk $0xffff, v0  }
0xe7: {  	v0 =	vld [tilespmem:s0+$0x6410];
	_ =	sdelay $0x4  }
0xe8: {  	[tilespmem:s22+$0x10] =	vst.add.f32.msk $0xffff, v0  }
0xe9: {  	v0 =	vld [tilespmem:s0+$0x6420]  }
0xea: {  	s24 =	sadd.s32 $0x91, s23  }
0xeb: {  	s25 =	sand.u32 $0xFFF8, s24  }
0xec: {  	s25 =	sshrl.u32 s25, $0x3  }
0xed: {  	s25 =	smul.u32 $0x147B, s25  }
0xee: {  	[tilespmem:s22+$0x20] =	vst.add.f32.msk $0xffff, v0  }
0xef: {  	v0 =	vld [tilespmem:s0+$0x6430];
	s0 =	sshrl.u32 s25, $0x11  }
0xf0: {  	s0 =	smul.u32 $0xC8, s0;
	_ =	sdelay $0x1  }
0xf1: {  	s0 =	ssub.s32 s24, s0  }
0xf2: {  	s0 =	sshll.u32 s0, $0x7  }
0xf3: {  	[tilespmem:s22+$0x30] =	vst.add.f32.msk $0xffff, v0;
	s0 =	sand.u32 $0xFF80, s0  }
0xf4: {  	v0 =	vld [tilespmem:s0+$0x6400];
	_ =	sdelay $0x4  }
0xf5: {  	[tilespmem:s22+$0x80] =	vst.add.f32.msk $0xffff, v0  }
0xf6: {  	v0 =	vld [tilespmem:s0+$0x6410];
	_ =	sdelay $0x4  }
0xf7: {  	[tilespmem:s22+$0x90] =	vst.add.f32.msk $0xffff, v0  }
0xf8: {  	v0 =	vld [tilespmem:s0+$0x6420];
	_ =	sdelay $0x1  }
.Ltmp5:
0xf9: {  	(pc) =	sbr.rel @p0 .LBB2_11-.Ltmp5, $3  }
0xfa: {  	_ =	sdelay $0x1  }
0xfb: {  	[tilespmem:s22+$0xA0] =	vst.add.f32.msk $0xffff, v0  }
0xfc: {  	s23 =	sadd.s32 $0x2, s23;
	v0 =	vld [tilespmem:s0+$0x6430]  }
0xfd: {  	_ =	sdelay $0x3  }
0xfe: {  	s21 =	sadd.s32 $0x1, s21;
	[tilespmem:s22+$0xB0] =	vst.add.f32.msk $0xffff, v0  }
0xff: {  	[hbm4b:s8+s3] =	stream.linear.scatter [tilespmem:s15], [sflag:$0x4], $0x8000, $0x38;
	[tilespmem:$0x1C800] =	vst v63  }
0x100: {  	p0 =	sne.s32 s21, s9;
	_ =	swait.ge [sflag:s19], $0x8000  }
.Ltmp6:
0x101: {  	[sflag:s19] =	ssyncset.done $0x0;
	(pc) =	sbr.rel @p0 .LBB2_1-.Ltmp6, $4  }
0x102: {  	[sflag:s19] =	ssyncadd.s32 $0xFFFF8000  }
0x103: {  	_ =	swait.ge [sflag:s20], $0x8000  }
0x104: {  	[sflag:s20] =	ssyncset.done $0x0  }
0x105: {  	[sflag:s20] =	ssyncadd.s32 $0xFFFF8000  }
0x106: {  	_ =	sfence.sel $0x180000  }
0x107: {  	[bflag:$0x0] =	sbarrier.arrive $0xFFFF  }
0x108: {  	_ =	strace $0x90000047  }
0x109: {  	[bflag:$0x2] =	sbarrier.arrive $0xFFFF  }
0x10a: {  	p0 =	sne.s32 s1, $0x0;
	s0 =	rddreg [dreg:$0x3]  }
0x10b: {  	s0 =	sadd.s32 @!p0 $0x100000, s0  }
0x10c: {  	[sflag:s0] =	ssyncadd.tile.s32 @!p0 $0x1;
	_ =	shalt  }
.Lfunc_end2:
_tile_overlayer_lowered:
.L_overlay_start_2:
0x10d: {  	(tag) =	ssettag $0x2  }
0x10e: {  	s0 =	rddreg [dreg:$0x0];
	s2 =	stileid.u32  }
0x10f: {  	s1 =	rddreg [dreg:$0x1];
	p0 =	sne.s32 s2, $0x0  }
0x110: {  	s3 =	rddreg [dreg:$0x2];
	[bflag:$0x3] =	sbarrier.arrive $0xFFFF;
	s2 =	simm.s32 @!p0 $0x1C05  }
0x111: {  	[timem:s3], [sflag:s2] =	dma.local @!p0 [hbm:s0], s1  }
0x112: {  	s0 =	simm.s32 @!p0 $0x5  }
0x113: {  	_ =	swait.ge @!p0 [sflag:s0], s1  }
0x114: {  	s1 =	ssub.s32 @!p0 $0x0, s1;
	[sflag:s0] =	ssyncset.done @!p0 $0x0  }
0x115: {  	[sflag:s0] =	ssyncadd.s32 @!p0 s1  }
0x116: {  	[bflag:$0x3] =	sbarrier.arrive $0xFFFF  }
0x117: {  	_ =	shalt  }

// kernel: sparse-core-data-format-call.cloned.1.call-start
scs
called_computation_lowered:
.L_overlay_start_0:
0x0: {  	s2 =	sld [smem:$0x3FD9]  }
0x1: {  	s3 =	sld [smem:$0x3FFE];
	_ =	sdelay $0x1  }
0x2: {  	s1 =	srdreg.scid  }
0x3: {  	s0 =	sand.u32 $0x1, s1  }
0x4: {  	s15 =	sshll.u32 s0, $0xA;
	s2 =	sadd.s32 s3, s2  }
0x5: {  	s2 =	sadd.s32 s2, s15  }
0x6: {  	[smem:$0x3FC6] =	sst s2  }
0x7: {  	_ = 	snop  }
0x8: {  	s2 =	sld [smem:$0x3FD0];
	_ =	sdelay $0x2  }
0x9: {  	s16 =	simm.s32 $0xA;
	s4 =	simm.s32 $0x10  }
0xa: {  	[smem:s4], [sflag:s16] =	dma.local [hbm:s2], $0x1  }
0xb: {  	_ =	swait.eq [sflag:s16], $0x1  }
0xc: {  	[sflag:s16] =	ssyncset.done $0x0  }
0xd: {  	[sflag:s16] =	ssyncadd.s32 $0xFFFFFFFF  }
0xe: {  	s17 =	sld [smem:$0x10];
	(tm) =	ssettm $0x1  }
0xf: {  	s18 =	sld [smem:$0x3FFB];
	_ =	sdelay $0x3  }
0x10: {  	_ =	strace s18  }
0x11: {  	s3 =	sld [smem:$0x3FFC];
	_ =	sdelay $0x3  }
0x12: {  	_ =	strace s3  }
0x13: {  	s3 =	sld [smem:$0x3FFD];
	_ =	sdelay $0x3  }
0x14: {  	_ =	strace s3  }
0x15: {  	_ =	strace $0x8FFFFFFF  }
0x16: {  	s19 =	sld [smem:$0x3FDB];
	_ =	sdelay $0x1  }
0x17: {  	s20 =	simm.s32 $_scs_section_size  }
0x18: {  	s5 =	simm.s32 $_size__tile_overlayer_lowered;
	s6 =	simm.s32 $_tile_overlayer_lowered  }
0x19: {  	s23 =	simm.s32 $0x1BFF;
	s22 =	sshll.u32 s6, $0x1;
	s3 =	sadd.s32 s20, s19  }
0x1a: {  	s7 =	simm.s32 $0x0;
	s21 =	sshll.u32 s5, $0x1;
	s5 =	sadd.s32 s22, s3  }
0x1b: {  	[timem:s7], [sflag:s23] =	dma.local [hbm:s5], s21  }
0x1c: {  	_ =	swait.ge [sflag:s23], s21  }
0x1d: {  	s4 =	ssub.s32 $0x0, s21;
	[sflag:s23] =	ssyncset.done $0x0  }
0x1e: {  	[sflag:s23] =	ssyncadd.s32 s4;
	_ =	sdelay $0x1  }
0x1f: {  	s24 =	simm.s32 $0x1B8B  }
0x20: {  	_ =	swait.ge [sflag:s24], $0x1  }
0x21: {  	[sflag:s24] =	ssyncset.done $0x0  }
0x22: {  	s26 =	simm.s32 $0x1B8E;
	s25 =	sld [smem:$0x3FFE];
	[sflag:s24] =	ssyncadd.s32 $0xFFFFFFFF  }
0x23: {  	s27 =	simm.s32 $execute0_lowered;
	[smem:$0x3FD2] =	sst s26  }
0x24: {  	s5 =	sshll.u32 s27, $0x1;
	_ =	strace $0x80000049;
	[dreg:$0x1] =	wrdreg $0xFFFFFFFF  }
0x25: {  	s28 =	simm.s32 $_size_execute0_lowered;
	s3 =	sadd.s32 s3, s5;
	[dreg:$0x0] =	wrdreg $0x0  }
0x26: {  	s5 =	sshll.u32 s28, $0x1;
	[dreg:$0x2] =	wrdreg s3  }
0x27: {  	[dreg:$0x3] =	wrdreg s5  }
0x28: {  	[dreg:$0x4] =	wrdreg $0xC0  }
0x29: {  	_ =	task [dreg:s7], $0x5FFFF  }
0x2a: {  	[dreg:$0x1] =	wrdreg $0xFFFFFFFF  }
0x2b: {  	[dreg:$0x0] =	wrdreg $0x60  }
0x2c: {  	[dreg:$0x2] =	wrdreg s25  }
0x2d: {  	[dreg:$0x3] =	wrdreg s17  }
0x2e: {  	[dreg:$0x4] =	wrdreg $0x9  }
0x2f: {  	_ =	task.clear_ibuf [dreg:s7], $0x5FFFF;
	_ =	strace $0x90000049  }
0x30: {  	s29 =	simm.s32 $0x9;
	_ =	strace $0x8000004B  }
0x31: {  	_ =	swait.ge [sflag:s29], $0x1  }
0x32: {  	[sflag:s29] =	ssyncadd.s32 $0xFFFFFFFF  }
0x33: {  	_ =	strace $0x9000004B  }
0x34: {  	_ =	sfence  }
0x35: {  	s30 =	sld [smem:$0x0];
	_ =	sdelay $0x2  }
0x36: {  	s31 =	sshll.u32 s1, $0xD;
	s1 =	sshrl.u32 s1, $0x2  }
0x37: {  	s3 =	sand.u32 $0x4000, s31;
	s1 =	sadd.s32 s1, s30  }
0x38: {  	s0 =	sor.u32 s3, s0;
	s1 =	sshll.u32 s1, $0x11  }
0x39: {  	s0 =	sor.u32 s1, s0  }
0x3a: {  	s0 =	sadd.s32 $0x8F2B, s0  }
0x3b: {  	[sflag:s0] =	ssyncadd.remote.s32 $0x1  }
0x3c: {  	_ =	sfence.sel $0xFFFF  }
0x3d: {  	[dreg:$0x0] =	wrdreg $0xFFFFFFFF;
	(pc) =	sbr.abs _section_cstart, $3  }
0x3e: {  	[dreg:$0x1] =	wrdreg $0xFFFFFFFF  }
0x3f: {  	_ =	task.clear_ibuf [dreg:s7], $0x2FFFF;
	_ =	strace $0x9FFFFFFF  }
0x40: {  	(tm) =	ssettm $0x7FFFFFFF  }
0x41: {  	_ =	shalt  }
tec
execute0_lowered:
.L_overlay_start_1:
0x0: {  	(tag) =	ssettag $0x1  }
0x1: {  	s0 =	srdreg.scid  }
0x2: {  	s1 =	sshll.u32 s0, $0x4  }
0x3: {  	s0 =	stileid.u32;
	s1 =	sand.u32 $0x10, s1  }
0x4: {  	s1 =	sor.u32 s0, s1  }
0x5: {  	s6 =	rddreg [dreg:$0x0];
	s4 =	simm.s32 $0x1;
	s2 =	sshll.u32 s1, $0x7  }
0x6: {  	s7 =	simm.s32 $0x2;
	s12 =	simm.s32 $0x0;
	s1 =	ssub.s32 $0x1000, s2  }
0x7: {  	s8 =	simm.s32 $0x8000;
	s13 =	simm.s32 $0x0;
	s3 =	sand.u32 $0xF80, s1  }
0x8: {  	s9 =	simm.s32 $0x0;
	s5 =	sshrl.u32 s1, $0xC;
	p0 =	sne.s32 s3, $0x0  }
.Ltmp0:
0x9: {  	s1 =	rddreg [dreg:$0x2];
	s4 =	simm.s32 @!p0 $0x0;
	(pc) =	sbr.rel .LBB1_1-.Ltmp0, $4  }
0xa: {  	s11 =	simm.s32 $0x0;
	s3 =	rddreg [dreg:$0x1];
	s5 =	sadd.s32 s4, s5  }
0xb: {  	_ =	strace $0x8000004A;
	s4 =	simm.s32 $0x1;
	s5 =	smul.u32 $0xC8, s5  }
0xc: {  	s6 =	sadd.s32 $0x600, s6;
	s10 =	smov.u32 s2;
	[sflag:s4] =	ssyncpa.u1 $0x0  }
0xd: {  	p0 =	por $0x0, $0x0;
	[sflag:s7] =	ssyncpa.u1 $0x0;
	s7 =	sor.u32 $0x1, s5  }
.LBB1_4:
0xe: {  	s16 =	sshll.u32 s13, $0x3;
	s17 =	sand.u32 $0x78, s13  }
0xf: {  	s30 =	sand.u32 $0x7E00, s13;
	s12 =	sshll.u32 s12, $0xF;
	s16 =	sand.u32 $0xC00, s16  }
0x10: {  	[tilespmem:s15+$0x810 ss:$0x81] =	vst.msk $0xffff, v2;
	s31 =	sand.u32 $0x7, s13;
	s16 =	sor.u32 s17, s16;
	s17 =	sadd.s32 s3, s30  }
0x11: {  	[tilespmem:s15+$0x1020 ss:$0x81] =	vst.msk $0xffff, v0;
	s13 =	sshll.u32 s31, $0x12;
	s12 =	sadd.s32 s12, s17;
	s16 =	sshrl.u32 s16, $0x3  }
0x12: {  	[tilespmem:s15+$0x0 ss:$0x81] =	vst.msk $0xffff, v1;
	s13 =	sor.u32 $0x400, s13;
	s12 =	sadd.s32 s16, s12  }
0x13: {  	[hbm4b:s12+s13] =	stream.strided.scatter [tilespmem:s14], [sflag:$0x2], $0x2000, s8, s13, $0x20;
	[tilespmem:$0x8080] =	vst v63  }
.LBB1_5:
0x14: {  	s14 =	sadd.s32 $0x1, s9  }
0x15: {  	s12 =	sadd.s32 $0x1000, s10;
	s16 =	smov.u32 s10;
	p2 =	sgt.s32 s14, $0xC7  }
0x16: {  	s16 =	smov.u32 @p2 s12  }
0x17: {  	s14 =	simm.s32 @p2 $0x0;
	p2 =	sgt.s32 s16, $0xFFF  }
0x18: {  	s16 =	smov.u32 @p2 s2;
	p2 =	sne.s32 s11, s7  }
.Ltmp1:
0x19: {  	p1 =	slt.u32 s11, $0x2;
	(pc) =	sbr.rel @!p2 .LBB1_6-.Ltmp1, $4  }
0x1a: {  	s15 =	simm.s32 @!p1 $0x2  }
0x1b: {  	s13 =	smov.u32 s10;
	p0 =	por !p0, !p0;
	_ =	swait.ge @!p1 [sflag:s15], $0x2000  }
0x1c: {  	s12 =	smov.u32 s9;
	[sflag:s15] =	ssyncset.done @!p1 $0x0;
	s9 =	smov.u32 s14  }
0x1d: {  	s11 =	sadd.s32 $0x1, s11;
	[sflag:s15] =	ssyncadd.s32 @!p1 $0xFFFFE000;
	s10 =	smov.u32 s16  }
.LBB1_1:
0x1e: {  	p1 =	sge.u32 s11, s5  }
0x1f: {  	s14 =	sand.u32 @!p1 $0x1FFFFFF, s9  }
0x20: {  	s15 =	smulhi.u32 @!p1 $0x147AE15, s14;
	_ =	sdelay $0x1  }
0x21: {  	s15 =	smul.u32 @!p1 $0xC8, s15  }
0x22: {  	s16 =	sxor.u32 @!p1 $0xFFFFFFFF, s11;
	s17 =	smul.u32 @!p1 $0xC80, s10  }
0x23: {  	s31 =	sadd.s32 $0xFFFFFFFF, s11;
	s16 =	sshll.u32 @!p1 s16, $0xD;
	s14 =	ssub.s32 @!p1 s14, s15  }
0x24: {  	s15 =	sand.u32 @!p1 $0x2000, s16;
	s16 =	sadd.s32 @!p1 s6, s17;
	s14 =	sshll.u32 @!p1 s14, $0x4  }
0x25: {  	s17 =	simm.s32 @!p1 $0x6400;
	s14 =	sadd.s32 @!p1 s14, s16;
	s16 =	simm.s32 @!p1 $0x40  }
0x26: {  	[tilespmem:s15], [sflag:$0x1] =	stream.strided.gather @!p1 [hbm4b:s14+s16], $0x2000, s17, s16, $0x38;
	[tilespmem:$0x8080] =	vst v63  }
0x27: {  	p1 =	sge.u32 s31, s5  }
.Ltmp2:
0x28: {  	_ = 	snop;
	(pc) =	sbr.rel @p1 .LBB1_5-.Ltmp2, $1  }
0x29: {  	_ =	sdelay $0x3  }
0x2a: {  	s14 =	simm.s32 $0x1  }
0x2b: {  	_ =	swait.ge [sflag:s4], $0x2000;
	s14 =	simm.s32 @!p0 $0x0  }
0x2c: {  	[sflag:s4] =	ssyncset.done $0x0;
	s15 =	sshll.u32 s14, $0xD  }
0x2d: {  	[sflag:s4] =	ssyncadd.s32 $0xFFFFE000;
	s18 =	sor.u32 $0x20, s15  }
0x2e: {  	s14 =	smul.u32 $0x8100, s14;
	v3 =	vld [tilespmem:s18+$0x10]  }
0x2f: {  	s30 =	sand.u32 $0x1, s11;
	v2 =	vld [tilespmem:s18+$0xFFFFFFF0]  }
0x30: {  	s15 =	smul.u32 $0x8100, s30;
	s14 =	sshrl.u32 s14, $0x2;
	v0 =	vld [tilespmem:s18+$0x0]  }
0x31: {  	v1 =	vld [tilespmem:s18+$0xFFFFFFE0];
	s16 =	sor.u32 $0x4000, s14  }
0x32: {  	s31 =	sshrl.u32 s15, $0x2;
	s15 =	sadd.s32 $0x0, s16  }
0x33: {  	s17 =	simm.s32 $0x4;
	s18 =	sadd.s32 $0x40, s18;
	s14 =	sor.u32 $0x4000, s31;
	[tilespmem:s15+$0x1830 ss:$0x81] =	vst.msk $0xffff, v3  }
.LBB1_3:
0x34: {  	v3 =	vld [tilespmem:s18+$0x10];
	p1 =	sne.s32 s17, $0x1FC;
	[tilespmem:s15+$0x810 ss:$0x81] =	vst.msk $0xffff, v2;
	s19 =	smov.u32 s17;
	s17 =	sadd.s32 $0x4, s17  }
.Ltmp3:
0x35: {  	v2 =	vld [tilespmem:s18+$0xFFFFFFF0];
	[tilespmem:s15+$0x1020 ss:$0x81] =	vst.msk $0xffff, v0;
	(pc) =	sbr.rel @p1 .LBB1_3-.Ltmp3, $4  }
0x36: {  	v0 =	vld [tilespmem:s18+$0x0];
	[tilespmem:s15+$0x0 ss:$0x81] =	vst.msk $0xffff, v1  }
0x37: {  	s15 =	sshra.s32 s19, $0x2;
	v1 =	vld [tilespmem:s18+$0xFFFFFFE0]  }
0x38: {  	s15 =	sadd.s32 s15, s16  }
0x39: {  	s18 =	sadd.s32 $0x40, s18;
	[tilespmem:s15+$0x1830 ss:$0x81] =	vst.msk $0xffff, v3  }
.Ltmp4:
0x3a: {  	_ = 	snop;
	(pc) =	sbr.rel .LBB1_4-.Ltmp4, $1  }
0x3b: {  	_ =	sdelay $0x3  }
.LBB1_6:
0x3c: {  	_ =	sfence.sel $0x180000  }
0x3d: {  	s2 =	simm.s32 $0x1;
	[bflag:$0x0] =	sbarrier.arrive $0xFFFF  }
0x3e: {  	s31 =	simm.s32 $0x2;
	[sflag:s2] =	ssyncpa.u1 $0x1  }
0x3f: {  	[sflag:s31] =	ssyncpa.u1 $0x1  }
0x40: {  	p0 =	sne.s32 s0, $0x0;
	_ =	strace $0x9000004A  }
0x41: {  	s0 =	sadd.s32 @!p0 $0x100000, s1;
	[bflag:$0x2] =	sbarrier.arrive $0xFFFF  }
0x42: {  	[sflag:s0] =	ssyncadd.tile.s32 @!p0 $0x1;
	_ =	shalt  }
.Lfunc_end1:
_tile_overlayer_lowered:
.L_overlay_start_2:
0x43: {  	(tag) =	ssettag $0x2  }
0x44: {  	s0 =	rddreg [dreg:$0x0];
	s2 =	stileid.u32  }
0x45: {  	s1 =	rddreg [dreg:$0x1];
	p0 =	sne.s32 s2, $0x0  }
0x46: {  	s3 =	rddreg [dreg:$0x2];
	[bflag:$0x3] =	sbarrier.arrive $0xFFFF;
	s2 =	simm.s32 @!p0 $0x1C01  }
0x47: {  	[timem:s3], [sflag:s2] =	dma.local @!p0 [hbm:s0], s1  }
0x48: {  	s0 =	simm.s32 @!p0 $0x1  }
0x49: {  	_ =	swait.ge @!p0 [sflag:s0], s1  }
0x4a: {  	s1 =	ssub.s32 @!p0 $0x0, s1;
	[sflag:s0] =	ssyncset.done @!p0 $0x0  }
0x4b: {  	[sflag:s0] =	ssyncadd.s32 @!p0 s1  }
0x4c: {  	[bflag:$0x3] =	sbarrier.arrive $0xFFFF  }
0x4d: {  	_ =	shalt  }

</sc_bundles>
